<compile_context>
chip_gen: v7x
topology: tpu7x:2x2x1
jax: 0.10.2.dev20260603
libtpu: 0.0.44.dev20260713+nightly
codegen_flags: <defaults>
</compile_context>

<pallas_src>
import functools

import jax
import jax.numpy as jnp
from jax import lax
from jax.experimental import pallas as pl
from jax.experimental.pallas import tpu as pltpu
from jax.experimental.pallas import tpu_sc as plsc

S = 2048
D = 768
DFF = 2048
E = 64
CM = 32
T_MAX = 128
PADDED = T_MAX * CM

NC, NS = 2, 16
NW = NC * NS
TPW = S // NW

_INV_SQRT2 = 0.7071067811865476


def _router_body(x_ref, wr_ref, br_ref, pos_ref, g16_ref, et_ref, na_ref):
    x = x_ref[...]
    logits = jnp.dot(x, wr_ref[...], preferred_element_type=jnp.float32)
    logits = logits + br_ref[...]
    m = jnp.max(logits, axis=1, keepdims=True)
    ex = jnp.exp(logits - m)
    probs = ex / jnp.sum(ex, axis=1, keepdims=True)
    pmax = jnp.max(probs, axis=1, keepdims=True)
    iota_e = lax.broadcasted_iota(jnp.int32, (S, E), 1)
    idx = jnp.min(jnp.where(probs == pmax, iota_e, E), axis=1, keepdims=True)
    one_hot = (iota_e == idx).astype(jnp.float32)

    r_iota = lax.broadcasted_iota(jnp.int32, (S, S), 0)
    c_iota = lax.broadcasted_iota(jnp.int32, (S, S), 1)
    tri = (c_iota < r_iota).astype(jnp.float32)
    cum = jnp.dot(tri, one_hot, preferred_element_type=jnp.float32)
    rank = jnp.sum(one_hot * cum, axis=1, keepdims=True)

    counts = jnp.sum(one_hot, axis=0, keepdims=True)
    nt = jnp.ceil(counts / CM)
    e_i = lax.broadcasted_iota(jnp.int32, (E, E), 0)
    e_j = lax.broadcasted_iota(jnp.int32, (E, E), 1)
    upper = (e_i < e_j).astype(jnp.float32)
    ct_excl = jnp.dot(nt, upper, preferred_element_type=jnp.float32)
    start = ct_excl * CM
    posf = jnp.sum(one_hot * start, axis=1, keepdims=True) + rank
    pos_ref[...] = posf.astype(jnp.int32)
    g16_ref[...] = pmax * jnp.ones((1, 128), jnp.float32)

    ict = (ct_excl + nt).astype(jnp.int32)
    na = jnp.sum(nt).astype(jnp.int32)
    t_iota = lax.broadcasted_iota(jnp.int32, (T_MAX, E), 0)
    e_raw = jnp.sum((t_iota >= ict).astype(jnp.int32), axis=1, keepdims=True)
    t_col = lax.broadcasted_iota(jnp.int32, (T_MAX, 1), 0)
    e_last = jnp.sum(jnp.where(t_col == na - 1, e_raw, 0), axis=0,
                     keepdims=True)
    et_ref[...] = jnp.where(t_col < na, e_raw, e_last)
    na_ref[...] = jnp.reshape(na, (1, 1))


_router_call = pl.pallas_call(
    _router_body,
    out_shape=(
        jax.ShapeDtypeStruct((S, 1), jnp.int32),
        jax.ShapeDtypeStruct((S, 128), jnp.float32),
        jax.ShapeDtypeStruct((T_MAX, 1), jnp.int32),
        jax.ShapeDtypeStruct((1, 1), jnp.int32),
    ),
)


@functools.lru_cache(maxsize=None)
def _sc_kernels():
    mesh = plsc.VectorSubcoreMesh(
        core_axis_name="c", subcore_axis_name="s",
        num_cores=NC, num_subcores=NS)

    @functools.partial(
        pl.kernel,
        mesh=mesh,
        out_type=[
            jax.ShapeDtypeStruct((PADDED, D), jnp.float32),
            jax.ShapeDtypeStruct((PADDED, 128), jnp.float32),
        ],
        scratch_types=[
            pltpu.VMEM((TPW,), jnp.int32),
            pltpu.VMEM((TPW, D), jnp.float32),
            pltpu.VMEM((TPW, 128), jnp.float32),
            pltpu.SemaphoreType.DMA,
            pltpu.SemaphoreType.DMA,
        ],
    )
    def _dispatch(x_hbm, g16_hbm, pos_hbm, xs_hbm, gs_hbm,
                  idx_v, rows_v, g_v, sem1, sem2):
        wid = lax.axis_index("s") * NC + lax.axis_index("c")
        base = wid * TPW
        pltpu.sync_copy(pos_hbm.at[pl.ds(base, TPW)], idx_v)
        pltpu.sync_copy(x_hbm.at[pl.ds(base, TPW)], rows_v)
        pltpu.sync_copy(g16_hbm.at[pl.ds(base, TPW)], g_v)
        cp1 = pltpu.async_copy(rows_v, xs_hbm.at[idx_v], sem1)
        cp2 = pltpu.async_copy(g_v, gs_hbm.at[idx_v], sem2)
        cp1.wait()
        cp2.wait()

    @functools.partial(
        pl.kernel,
        mesh=mesh,
        out_type=jax.ShapeDtypeStruct((S, D), jnp.float32),
        scratch_types=[
            pltpu.VMEM((TPW,), jnp.int32),
            pltpu.VMEM((TPW, D), jnp.float32),
            pltpu.SemaphoreType.DMA,
        ],
    )
    def _combine(pos_hbm, ys_hbm, out_hbm, idx_v, rows_v, sem):
        wid = lax.axis_index("s") * NC + lax.axis_index("c")
        base = wid * TPW
        pltpu.sync_copy(pos_hbm.at[pl.ds(base, TPW)], idx_v)
        pltpu.async_copy(ys_hbm.at[idx_v], rows_v, sem).wait()
        pltpu.sync_copy(rows_v, out_hbm.at[pl.ds(base, TPW)])

    return _dispatch, _combine


def _ffn_body(et_ref, na_ref, x_ref, g_ref,
              w1_ref, b1_ref, w2_ref, b2_ref, y_ref):
    i = pl.program_id(0)

    @pl.when(i < na_ref[0])
    def _():
        x = x_ref[...]
        h = jnp.dot(x, w1_ref[0], preferred_element_type=jnp.float32)
        h = h + b1_ref[0]
        h = 0.5 * h * (1.0 + lax.erf(h * _INV_SQRT2))
        y = jnp.dot(h, w2_ref[0], preferred_element_type=jnp.float32)
        y = y + b2_ref[0]
        y_ref[...] = y * g_ref[:, 0:1]


def _clamped(i, et_ref, na_ref):
    del et_ref
    return (jnp.minimum(i, na_ref[0] - 1), 0)


def _e(i, et_ref, na_ref):
    return (et_ref[jnp.minimum(i, na_ref[0] - 1)], 0, 0)


_ffn_call = pl.pallas_call(
    _ffn_body,
    grid_spec=pltpu.PrefetchScalarGridSpec(
        num_scalar_prefetch=2,
        grid=(T_MAX,),
        in_specs=[
            pl.BlockSpec((CM, D), _clamped),
            pl.BlockSpec((CM, 128), _clamped),
            pl.BlockSpec((1, D, DFF), _e),
            pl.BlockSpec((1, 1, DFF), _e),
            pl.BlockSpec((1, DFF, D), _e),
            pl.BlockSpec((1, 1, D), _e),
        ],
        out_specs=pl.BlockSpec((CM, D), _clamped),
    ),
    out_shape=jax.ShapeDtypeStruct((PADDED, D), jnp.float32),
)


def kernel(hidden_states, Wr, br, W1, b1, W2, b2):
    dispatch, combine = _sc_kernels()
    x = hidden_states.reshape(S, D)
    pos2, g16, et2, na2 = _router_call(x, Wr, br.reshape(1, E))
    pos = pos2.reshape(S)
    xs, gs = dispatch(x, g16, pos)
    b1r, b2r = b1.reshape(E, 1, DFF), b2.reshape(E, 1, D)
    ys = _ffn_call(et2.reshape(T_MAX), na2.reshape(1), xs, gs,
                   W1, b1r, W2, b2r)
    out = combine(pos, ys)
    return out.reshape(1, S, D)

# --- scband reference (transcript-rebuilt; emitter-appended) ---
"""Pipeline reference for scband-mo-elayer-57569741635630 (READ-ONLY COPY).

The authoritative reference and input builder live on the scoring server;
editing this copy changes nothing except your own understanding.
"""

import jax, jax.numpy as jnp
import numpy as np

B, S, D = 1, 2048, 768
DFF = 2048
E = 64
K = 1


def setup_inputs(seed: int = 0) -> dict:
    key = jax.random.key(seed)
    ks = jax.random.split(key, 6)
    hidden_states = jax.random.normal(ks[0], (B, S, D), dtype=jnp.float32)
    Wr = jax.random.normal(ks[1], (D, E), dtype=jnp.float32) * 0.02
    br = jnp.zeros((E,), dtype=jnp.float32)
    W1 = jax.random.normal(ks[2], (E, D, DFF), dtype=jnp.float32) * 0.02
    b1 = jnp.zeros((E, DFF), dtype=jnp.float32)
    W2 = jax.random.normal(ks[3], (E, DFF, D), dtype=jnp.float32) * 0.02
    b2 = jnp.zeros((E, D), dtype=jnp.float32)
    return {"hidden_states": hidden_states, "Wr": Wr, "br": br, "W1": W1, "b1": b1, "W2": W2, "b2": b2}


def reference(hidden_states, Wr, br, W1, b1, W2, b2):
    # TopKRouter: softmax over expert logits, top-k gate values (Switch-style, no renorm)
    Bsz, Sl, Dm = hidden_states.shape
    x = hidden_states.reshape(-1, Dm)
    router_logits = x @ Wr + br
    router_probs = jax.nn.softmax(router_logits, axis=-1)
    expert_weights, expert_indices = jax.lax.top_k(router_probs, K)
    output = jnp.zeros_like(x)
    for e in range(E):
        mask = expert_indices == e  # [T, K]
        h = jax.nn.gelu(x @ W1[e] + b1[e], approximate=False)
        ye = h @ W2[e] + b2[e]
        for k_idx in range(K):
            w = jnp.where(mask[:, k_idx], expert_weights[:, k_idx], jnp.float32(0.0))
            output = output + ye * w[:, None]
    output = output.reshape(Bsz, Sl, Dm)
    return output

if __name__ == "__main__":
    import jax
    _d = setup_inputs()
    print(jax.jit(kernel)(*tuple(_d.values())))

</pallas_src>

<mosaic_0001>
#map = affine_map<(d0, d1) -> (0, 0)>
#map1 = affine_map<(d0, d1) -> (0)>
module attributes {stable_mosaic.version = 14 : i64} {
  func.func @_dispatch(%arg0: i32, %arg1: i32, %arg2: memref<2048x768xf32, #tpu.memory_space<hbm>>, %arg3: memref<2048x128xf32, #tpu.memory_space<hbm>>, %arg4: memref<2048xi32, #tpu.memory_space<hbm>>, %arg5: memref<4096x768xf32, #tpu.memory_space<hbm>>, %arg6: memref<4096x128xf32, #tpu.memory_space<hbm>>, %arg7: memref<64xi32, #tpu.memory_space<vmem>>, %arg8: memref<64x768xf32, #tpu.memory_space<vmem>>, %arg9: memref<64x128xf32, #tpu.memory_space<vmem>>, %arg10: memref<!tpu.dma_semaphore, #tpu.memory_space<semaphore_mem>>, %arg11: memref<!tpu.dma_semaphore, #tpu.memory_space<semaphore_mem>>) attributes {dimension_semantics = [#tpu.dimension_semantics<core_parallel>, #tpu.dimension_semantics<subcore_parallel>], iteration_bounds = array<i64: 2, 16>, scalar_prefetch = 0 : i64, scratch_operands = 5 : i64, tpu.core_type = #tpu.core_type<sc_vector_subcore>, window_params = [{transform_indices = #map}, {transform_indices = #map}, {transform_indices = #map1}, {transform_indices = #map}, {transform_indices = #map}]} {
    %mul3A = arith.constant 2 : i32
    %mul3A_0 = arith.muli %arg1, %mul3A : i32
    %add3A = arith.addi %mul3A_0, %arg0 : i32
    %mul3A_1 = arith.constant 64 : i32
    %mul3A_2 = arith.muli %add3A, %mul3A_1 : i32
    "tpu.region"() ({
      %run_scoped3A = tpu.sem_alloc : memref<!tpu.dma_semaphore, #tpu.memory_space<semaphore_mem>>
      %dma_start3A_13 = tpu.memref_slice %arg4[%mul3A_2] : memref<2048xi32, #tpu.memory_space<hbm>> -> memref<64xi32, #tpu.memory_space<hbm>>
      %dma_start3A_14 = tpu.memref_slice %arg4[%mul3A_2] : memref<2048xi32, #tpu.memory_space<hbm>> -> memref<64xi32, #tpu.memory_space<hbm>>
      tpu.enqueue_dma source(%dma_start3A_14 : memref<64xi32, #tpu.memory_space<hbm>>) target(%arg7 : memref<64xi32, #tpu.memory_space<vmem>>) target_semaphore(%run_scoped3A : memref<!tpu.dma_semaphore, #tpu.memory_space<semaphore_mem>>)
      %dma_wait3A_15 = tpu.memref_slice %arg4[%mul3A_2] : memref<2048xi32, #tpu.memory_space<hbm>> -> memref<64xi32, #tpu.memory_space<hbm>>
      %dma_wait3A_16 = tpu.memref_slice %arg4[%mul3A_2] : memref<2048xi32, #tpu.memory_space<hbm>> -> memref<64xi32, #tpu.memory_space<hbm>>
      tpu.wait_dma2 semaphore(%run_scoped3A : memref<!tpu.dma_semaphore, #tpu.memory_space<semaphore_mem>>) src(%dma_wait3A_16 : memref<64xi32, #tpu.memory_space<hbm>>) dst(%arg7 : memref<64xi32, #tpu.memory_space<vmem>>)
      tpu.yield
    }) : () -> ()
    "tpu.region"() ({
      %run_scoped3A = tpu.sem_alloc : memref<!tpu.dma_semaphore, #tpu.memory_space<semaphore_mem>>
      %dma_start3A_13 = arith.constant 0 : i32
      %dma_start3A_14 = tpu.memref_slice %arg2[%mul3A_2, %dma_start3A_13] : memref<2048x768xf32, #tpu.memory_space<hbm>> -> memref<64x768xf32, #tpu.memory_space<hbm>>
      %dma_start3A_15 = arith.constant 0 : i32
      %dma_start3A_16 = tpu.memref_slice %arg2[%mul3A_2, %dma_start3A_15] : memref<2048x768xf32, #tpu.memory_space<hbm>> -> memref<64x768xf32, #tpu.memory_space<hbm>>
      tpu.enqueue_dma source(%dma_start3A_16 : memref<64x768xf32, #tpu.memory_space<hbm>>) target(%arg8 : memref<64x768xf32, #tpu.memory_space<vmem>>) target_semaphore(%run_scoped3A : memref<!tpu.dma_semaphore, #tpu.memory_space<semaphore_mem>>)
      %dma_wait3A_17 = arith.constant 0 : i32
      %dma_wait3A_18 = tpu.memref_slice %arg2[%mul3A_2, %dma_wait3A_17] : memref<2048x768xf32, #tpu.memory_space<hbm>> -> memref<64x768xf32, #tpu.memory_space<hbm>>
      %dma_wait3A_19 = arith.constant 0 : i32
      %dma_wait3A_20 = tpu.memref_slice %arg2[%mul3A_2, %dma_wait3A_19] : memref<2048x768xf32, #tpu.memory_space<hbm>> -> memref<64x768xf32, #tpu.memory_space<hbm>>
      tpu.wait_dma2 semaphore(%run_scoped3A : memref<!tpu.dma_semaphore, #tpu.memory_space<semaphore_mem>>) src(%dma_wait3A_20 : memref<64x768xf32, #tpu.memory_space<hbm>>) dst(%arg8 : memref<64x768xf32, #tpu.memory_space<vmem>>)
      tpu.yield
    }) : () -> ()
    "tpu.region"() ({
      %run_scoped3A = tpu.sem_alloc : memref<!tpu.dma_semaphore, #tpu.memory_space<semaphore_mem>>
      %dma_start3A_13 = arith.constant 0 : i32
      %dma_start3A_14 = tpu.memref_slice %arg3[%mul3A_2, %dma_start3A_13] : memref<2048x128xf32, #tpu.memory_space<hbm>> -> memref<64x128xf32, #tpu.memory_space<hbm>>
      %dma_start3A_15 = arith.constant 0 : i32
      %dma_start3A_16 = tpu.memref_slice %arg3[%mul3A_2, %dma_start3A_15] : memref<2048x128xf32, #tpu.memory_space<hbm>> -> memref<64x128xf32, #tpu.memory_space<hbm>>
      tpu.enqueue_dma source(%dma_start3A_16 : memref<64x128xf32, #tpu.memory_space<hbm>>) target(%arg9 : memref<64x128xf32, #tpu.memory_space<vmem>>) target_semaphore(%run_scoped3A : memref<!tpu.dma_semaphore, #tpu.memory_space<semaphore_mem>>)
      %dma_wait3A_17 = arith.constant 0 : i32
      %dma_wait3A_18 = tpu.memref_slice %arg3[%mul3A_2, %dma_wait3A_17] : memref<2048x128xf32, #tpu.memory_space<hbm>> -> memref<64x128xf32, #tpu.memory_space<hbm>>
      %dma_wait3A_19 = arith.constant 0 : i32
      %dma_wait3A_20 = tpu.memref_slice %arg3[%mul3A_2, %dma_wait3A_19] : memref<2048x128xf32, #tpu.memory_space<hbm>> -> memref<64x128xf32, #tpu.memory_space<hbm>>
      tpu.wait_dma2 semaphore(%run_scoped3A : memref<!tpu.dma_semaphore, #tpu.memory_space<semaphore_mem>>) src(%dma_wait3A_20 : memref<64x128xf32, #tpu.memory_space<hbm>>) dst(%arg9 : memref<64x128xf32, #tpu.memory_space<vmem>>)
      tpu.yield
    }) : () -> ()
    %dma_start3A = arith.constant 0 : i32
    %dma_start3A_3 = arith.constant 0 : i32
    %dma_start3A_4 = tpu.memref_slice %arg5[%dma_start3A, %dma_start3A_3] : memref<4096x768xf32, #tpu.memory_space<hbm>> -> memref<4096x768xf32, #tpu.memory_space<hbm>>
    tpu.enqueue_indirect_dma source(%arg8 : memref<64x768xf32, #tpu.memory_space<vmem>>) target(%dma_start3A_4 : memref<4096x768xf32, #tpu.memory_space<hbm>>) offsets(%arg7 : memref<64xi32, #tpu.memory_space<vmem>>) semaphore(%arg10 : memref<!tpu.dma_semaphore, #tpu.memory_space<semaphore_mem>>)
    %dma_start3A_5 = arith.constant 0 : i32
    %dma_start3A_6 = arith.constant 0 : i32
    %dma_start3A_7 = tpu.memref_slice %arg6[%dma_start3A_5, %dma_start3A_6] : memref<4096x128xf32, #tpu.memory_space<hbm>> -> memref<4096x128xf32, #tpu.memory_space<hbm>>
    tpu.enqueue_indirect_dma source(%arg9 : memref<64x128xf32, #tpu.memory_space<vmem>>) target(%dma_start3A_7 : memref<4096x128xf32, #tpu.memory_space<hbm>>) offsets(%arg7 : memref<64xi32, #tpu.memory_space<vmem>>) semaphore(%arg11 : memref<!tpu.dma_semaphore, #tpu.memory_space<semaphore_mem>>)
    %dma_wait3A = arith.constant 0 : i32
    %dma_wait3A_8 = arith.constant 0 : i32
    %dma_wait3A_9 = tpu.memref_slice %arg5[%dma_wait3A, %dma_wait3A_8] : memref<4096x768xf32, #tpu.memory_space<hbm>> -> memref<4096x768xf32, #tpu.memory_space<hbm>>
    tpu.wait_indirect_dma semaphore(%arg10 : memref<!tpu.dma_semaphore, #tpu.memory_space<semaphore_mem>>) src(%arg8 : memref<64x768xf32, #tpu.memory_space<vmem>>) dst(%dma_wait3A_9 : memref<4096x768xf32, #tpu.memory_space<hbm>>)
    %dma_wait3A_10 = arith.constant 0 : i32
    %dma_wait3A_11 = arith.constant 0 : i32
    %dma_wait3A_12 = tpu.memref_slice %arg6[%dma_wait3A_10, %dma_wait3A_11] : memref<4096x128xf32, #tpu.memory_space<hbm>> -> memref<4096x128xf32, #tpu.memory_space<hbm>>
    tpu.wait_indirect_dma semaphore(%arg11 : memref<!tpu.dma_semaphore, #tpu.memory_space<semaphore_mem>>) src(%arg9 : memref<64x128xf32, #tpu.memory_space<vmem>>) dst(%dma_wait3A_12 : memref<4096x128xf32, #tpu.memory_space<hbm>>)
    return
  }
}

#map = affine_map<(d0, d1) -> (0)>
#map1 = affine_map<(d0, d1) -> (0, 0)>
module attributes {stable_mosaic.version = 14 : i64} {
  func.func @_combine(%arg0: i32, %arg1: i32, %arg2: memref<2048xi32, #tpu.memory_space<hbm>>, %arg3: memref<4096x768xf32, #tpu.memory_space<hbm>>, %arg4: memref<2048x768xf32, #tpu.memory_space<hbm>>, %arg5: memref<64xi32, #tpu.memory_space<vmem>>, %arg6: memref<64x768xf32, #tpu.memory_space<vmem>>, %arg7: memref<!tpu.dma_semaphore, #tpu.memory_space<semaphore_mem>>) attributes {dimension_semantics = [#tpu.dimension_semantics<core_parallel>, #tpu.dimension_semantics<subcore_parallel>], iteration_bounds = array<i64: 2, 16>, scalar_prefetch = 0 : i64, scratch_operands = 3 : i64, tpu.core_type = #tpu.core_type<sc_vector_subcore>, window_params = [{transform_indices = #map}, {transform_indices = #map1}, {transform_indices = #map1}]} {
    %mul3A = arith.constant 2 : i32
    %mul3A_0 = arith.muli %arg1, %mul3A : i32
    %add3A = arith.addi %mul3A_0, %arg0 : i32
    %mul3A_1 = arith.constant 64 : i32
    %mul3A_2 = arith.muli %add3A, %mul3A_1 : i32
    "tpu.region"() ({
      %run_scoped3A = tpu.sem_alloc : memref<!tpu.dma_semaphore, #tpu.memory_space<semaphore_mem>>
      %dma_start3A_7 = tpu.memref_slice %arg2[%mul3A_2] : memref<2048xi32, #tpu.memory_space<hbm>> -> memref<64xi32, #tpu.memory_space<hbm>>
      %dma_start3A_8 = tpu.memref_slice %arg2[%mul3A_2] : memref<2048xi32, #tpu.memory_space<hbm>> -> memref<64xi32, #tpu.memory_space<hbm>>
      tpu.enqueue_dma source(%dma_start3A_8 : memref<64xi32, #tpu.memory_space<hbm>>) target(%arg5 : memref<64xi32, #tpu.memory_space<vmem>>) target_semaphore(%run_scoped3A : memref<!tpu.dma_semaphore, #tpu.memory_space<semaphore_mem>>)
      %dma_wait3A_9 = tpu.memref_slice %arg2[%mul3A_2] : memref<2048xi32, #tpu.memory_space<hbm>> -> memref<64xi32, #tpu.memory_space<hbm>>
      %dma_wait3A_10 = tpu.memref_slice %arg2[%mul3A_2] : memref<2048xi32, #tpu.memory_space<hbm>> -> memref<64xi32, #tpu.memory_space<hbm>>
      tpu.wait_dma2 semaphore(%run_scoped3A : memref<!tpu.dma_semaphore, #tpu.memory_space<semaphore_mem>>) src(%dma_wait3A_10 : memref<64xi32, #tpu.memory_space<hbm>>) dst(%arg5 : memref<64xi32, #tpu.memory_space<vmem>>)
      tpu.yield
    }) : () -> ()
    %dma_start3A = arith.constant 0 : i32
    %dma_start3A_3 = arith.constant 0 : i32
    %dma_start3A_4 = tpu.memref_slice %arg3[%dma_start3A, %dma_start3A_3] : memref<4096x768xf32, #tpu.memory_space<hbm>> -> memref<4096x768xf32, #tpu.memory_space<hbm>>
    tpu.enqueue_indirect_dma source(%dma_start3A_4 : memref<4096x768xf32, #tpu.memory_space<hbm>>) target(%arg6 : memref<64x768xf32, #tpu.memory_space<vmem>>) offsets(%arg5 : memref<64xi32, #tpu.memory_space<vmem>>) semaphore(%arg7 : memref<!tpu.dma_semaphore, #tpu.memory_space<semaphore_mem>>)
    %dma_wait3A = arith.constant 0 : i32
    %dma_wait3A_5 = arith.constant 0 : i32
    %dma_wait3A_6 = tpu.memref_slice %arg3[%dma_wait3A, %dma_wait3A_5] : memref<4096x768xf32, #tpu.memory_space<hbm>> -> memref<4096x768xf32, #tpu.memory_space<hbm>>
    tpu.wait_indirect_dma semaphore(%arg7 : memref<!tpu.dma_semaphore, #tpu.memory_space<semaphore_mem>>) src(%dma_wait3A_6 : memref<4096x768xf32, #tpu.memory_space<hbm>>) dst(%arg6 : memref<64x768xf32, #tpu.memory_space<vmem>>)
    "tpu.region"() ({
      %run_scoped3A = tpu.sem_alloc : memref<!tpu.dma_semaphore, #tpu.memory_space<semaphore_mem>>
      %dma_start3A_7 = arith.constant 0 : i32
      %dma_start3A_8 = tpu.memref_slice %arg4[%mul3A_2, %dma_start3A_7] : memref<2048x768xf32, #tpu.memory_space<hbm>> -> memref<64x768xf32, #tpu.memory_space<hbm>>
      %dma_start3A_9 = arith.constant 0 : i32
      %dma_start3A_10 = tpu.memref_slice %arg4[%mul3A_2, %dma_start3A_9] : memref<2048x768xf32, #tpu.memory_space<hbm>> -> memref<64x768xf32, #tpu.memory_space<hbm>>
      tpu.enqueue_dma source(%arg6 : memref<64x768xf32, #tpu.memory_space<vmem>>) target(%dma_start3A_10 : memref<64x768xf32, #tpu.memory_space<hbm>>) target_semaphore(%run_scoped3A : memref<!tpu.dma_semaphore, #tpu.memory_space<semaphore_mem>>)
      %dma_wait3A_11 = arith.constant 0 : i32
      %dma_wait3A_12 = tpu.memref_slice %arg4[%mul3A_2, %dma_wait3A_11] : memref<2048x768xf32, #tpu.memory_space<hbm>> -> memref<64x768xf32, #tpu.memory_space<hbm>>
      %dma_wait3A_13 = arith.constant 0 : i32
      %dma_wait3A_14 = tpu.memref_slice %arg4[%mul3A_2, %dma_wait3A_13] : memref<2048x768xf32, #tpu.memory_space<hbm>> -> memref<64x768xf32, #tpu.memory_space<hbm>>
      tpu.wait_dma2 semaphore(%run_scoped3A : memref<!tpu.dma_semaphore, #tpu.memory_space<semaphore_mem>>) src(%arg6 : memref<64x768xf32, #tpu.memory_space<vmem>>) dst(%dma_wait3A_14 : memref<64x768xf32, #tpu.memory_space<hbm>>)
      tpu.yield
    }) : () -> ()
    return
  }
}

module attributes {stable_mosaic.version = 14 : i64} {
  func.func @_router_body(%arg0: memref<2048x768xf32, #tpu.memory_space<vmem>>, %arg1: memref<768x64xf32, #tpu.memory_space<vmem>>, %arg2: memref<1x64xf32, #tpu.memory_space<vmem>>, %arg3: memref<2048x1xi32, #tpu.memory_space<vmem>>, %arg4: memref<2048x128xf32, #tpu.memory_space<vmem>>, %arg5: memref<128x1xi32, #tpu.memory_space<vmem>>, %arg6: memref<1x1xi32, #tpu.memory_space<vmem>>) attributes {dimension_semantics = [], scalar_prefetch = 0 : i64, scratch_operands = 0 : i64, tpu.core_type = #tpu.core_type<tc>} {
    %get3A = arith.constant 0 : index
    %get3A_0 = arith.constant 0 : index
    %get3A_1 = vector.load %arg0[%get3A, %get3A_0] : memref<2048x768xf32, #tpu.memory_space<vmem>>, vector<2048x768xf32>
    %get3A_2 = arith.constant 0 : index
    %get3A_3 = arith.constant 0 : index
    %get3A_4 = vector.load %arg1[%get3A_2, %get3A_3] : memref<768x64xf32, #tpu.memory_space<vmem>>, vector<768x64xf32>
    %dot_general3A = arith.constant dense<0.000000e+00> : vector<2048x64xf32>
    %dot_general3A_5 = tpu.matmul %get3A_1, %get3A_4, %dot_general3A {dimension_numbers = #tpu.dot_dimension_numbers<[1], [0], [0], [1], [0, 0, 1, 1], [], []>, transpose_lhs_hint = false} : vector<2048x768xf32>, vector<768x64xf32>, vector<2048x64xf32> -> vector<2048x64xf32>
    %get3A_6 = arith.constant 0 : index
    %get3A_7 = arith.constant 0 : index
    %get3A_8 = vector.load %arg2[%get3A_6, %get3A_7] : memref<1x64xf32, #tpu.memory_space<vmem>>, vector<1x64xf32>
    %add3A = vector.broadcast %get3A_8 : vector<1x64xf32> to vector<2048x64xf32>
    %add3A_9 = arith.addf %dot_general3A_5, %add3A : vector<2048x64xf32>
    %reduce_max3A = arith.constant dense<0xFF800000> : vector<2048xf32>
    %reduce_max3A_10 = vector.multi_reduction <maximumf>, %add3A_9, %reduce_max3A [1] : vector<2048x64xf32> to vector<2048xf32>
    %broadcast_in_dim3A = vector.shape_cast %reduce_max3A_10 : vector<2048xf32> to vector<2048x1xf32>
    %sub3A = vector.broadcast %broadcast_in_dim3A : vector<2048x1xf32> to vector<2048x64xf32>
    %sub3A_11 = arith.subf %add3A_9, %sub3A : vector<2048x64xf32>
    %exp3A = math.exp %sub3A_11 : vector<2048x64xf32>
    %reduce_sum3A = arith.constant dense<0.000000e+00> : vector<2048xf32>
    %reduce_sum3A_12 = vector.multi_reduction <add>, %exp3A, %reduce_sum3A [1] : vector<2048x64xf32> to vector<2048xf32>
    %broadcast_in_dim3A_13 = vector.shape_cast %reduce_sum3A_12 : vector<2048xf32> to vector<2048x1xf32>
    %div3A = vector.broadcast %broadcast_in_dim3A_13 : vector<2048x1xf32> to vector<2048x64xf32>
    %div3A_14 = arith.divf %exp3A, %div3A : vector<2048x64xf32>
    %reduce_max3A_15 = arith.constant dense<0xFF800000> : vector<2048xf32>
    %reduce_max3A_16 = vector.multi_reduction <maximumf>, %div3A_14, %reduce_max3A_15 [1] : vector<2048x64xf32> to vector<2048xf32>
    %broadcast_in_dim3A_17 = vector.shape_cast %reduce_max3A_16 : vector<2048xf32> to vector<2048x1xf32>
    %iota3A = tpu.iota {dimensions = array<i32: 1>} : vector<2048x64xi32>
    %eq3A = vector.broadcast %broadcast_in_dim3A_17 : vector<2048x1xf32> to vector<2048x64xf32>
    %eq3A_18 = arith.cmpf oeq, %div3A_14, %eq3A : vector<2048x64xf32>
    %jit3A = arith.constant 64 : i32
    %broadcast_in_dim3A_19 = vector.broadcast %jit3A : i32 to vector<2048x64xi32>
    %select_n3A = arith.select %eq3A_18, %iota3A, %broadcast_in_dim3A_19 : vector<2048x64xi1>, vector<2048x64xi32>
    %reduce_min3A = arith.constant dense<2147483647> : vector<2048xi32>
    %reduce_min3A_20 = vector.multi_reduction <minsi>, %select_n3A, %reduce_min3A [1] : vector<2048x64xi32> to vector<2048xi32>
    %broadcast_in_dim3A_21 = vector.shape_cast %reduce_min3A_20 : vector<2048xi32> to vector<2048x1xi32>
    %eq3A_22 = vector.broadcast %broadcast_in_dim3A_21 : vector<2048x1xi32> to vector<2048x64xi32>
    %eq3A_23 = arith.cmpi eq, %iota3A, %eq3A_22 : vector<2048x64xi32>
    %convert_element_type3A = arith.extui %eq3A_23 : vector<2048x64xi1> to vector<2048x64xi32>
    %convert_element_type3A_24 = arith.sitofp %convert_element_type3A : vector<2048x64xi32> to vector<2048x64xf32>
    %iota3A_25 = tpu.iota {dimensions = array<i32: 0>} : vector<2048x2048xi32>
    %iota3A_26 = tpu.iota {dimensions = array<i32: 1>} : vector<2048x2048xi32>
    %lt3A = arith.cmpi slt, %iota3A_26, %iota3A_25 : vector<2048x2048xi32>
    %convert_element_type3A_27 = arith.extui %lt3A : vector<2048x2048xi1> to vector<2048x2048xi32>
    %convert_element_type3A_28 = arith.sitofp %convert_element_type3A_27 : vector<2048x2048xi32> to vector<2048x2048xf32>
    %dot_general3A_29 = arith.constant dense<0.000000e+00> : vector<2048x64xf32>
    %dot_general3A_30 = tpu.matmul %convert_element_type3A_28, %convert_element_type3A_24, %dot_general3A_29 {dimension_numbers = #tpu.dot_dimension_numbers<[1], [0], [0], [1], [0, 0, 1, 1], [], []>, transpose_lhs_hint = false} : vector<2048x2048xf32>, vector<2048x64xf32>, vector<2048x64xf32> -> vector<2048x64xf32>
    %mul3A = arith.mulf %convert_element_type3A_24, %dot_general3A_30 : vector<2048x64xf32>
    %reduce_sum3A_31 = arith.constant dense<0.000000e+00> : vector<2048xf32>
    %reduce_sum3A_32 = vector.multi_reduction <add>, %mul3A, %reduce_sum3A_31 [1] : vector<2048x64xf32> to vector<2048xf32>
    %broadcast_in_dim3A_33 = vector.shape_cast %reduce_sum3A_32 : vector<2048xf32> to vector<2048x1xf32>
    %reduce_sum3A_34 = arith.constant dense<0.000000e+00> : vector<64xf32>
    %reduce_sum3A_35 = vector.multi_reduction <add>, %convert_element_type3A_24, %reduce_sum3A_34 [0] : vector<2048x64xf32> to vector<64xf32>
    %broadcast_in_dim3A_36 = vector.shape_cast %reduce_sum3A_35 : vector<64xf32> to vector<1x64xf32>
    %div3A_37 = arith.constant 3.200000e+01 : f32
    %div3A_38 = vector.broadcast %div3A_37 : f32 to vector<1x64xf32>
    %div3A_39 = arith.divf %broadcast_in_dim3A_36, %div3A_38 : vector<1x64xf32>
    %ceil3A = math.ceil %div3A_39 : vector<1x64xf32>
    %iota3A_40 = tpu.iota {dimensions = array<i32: 0>} : vector<64x64xi32>
    %iota3A_41 = tpu.iota {dimensions = array<i32: 1>} : vector<64x64xi32>
    %lt3A_42 = arith.cmpi slt, %iota3A_40, %iota3A_41 : vector<64x64xi32>
    %convert_element_type3A_43 = arith.extui %lt3A_42 : vector<64x64xi1> to vector<64x64xi32>
    %convert_element_type3A_44 = arith.sitofp %convert_element_type3A_43 : vector<64x64xi32> to vector<64x64xf32>
    %dot_general3A_45 = arith.constant dense<0.000000e+00> : vector<1x64xf32>
    %dot_general3A_46 = tpu.matmul %ceil3A, %convert_element_type3A_44, %dot_general3A_45 {dimension_numbers = #tpu.dot_dimension_numbers<[1], [0], [0], [1], [0, 0, 1, 1], [], []>, transpose_lhs_hint = false} : vector<1x64xf32>, vector<64x64xf32>, vector<1x64xf32> -> vector<1x64xf32>
    %mul3A_47 = arith.constant 3.200000e+01 : f32
    %mul3A_48 = vector.broadcast %mul3A_47 : f32 to vector<1x64xf32>
    %mul3A_49 = arith.mulf %dot_general3A_46, %mul3A_48 : vector<1x64xf32>
    %mul3A_50 = vector.broadcast %mul3A_49 : vector<1x64xf32> to vector<2048x64xf32>
    %mul3A_51 = arith.mulf %convert_element_type3A_24, %mul3A_50 : vector<2048x64xf32>
    %reduce_sum3A_52 = arith.constant dense<0.000000e+00> : vector<2048xf32>
    %reduce_sum3A_53 = vector.multi_reduction <add>, %mul3A_51, %reduce_sum3A_52 [1] : vector<2048x64xf32> to vector<2048xf32>
    %broadcast_in_dim3A_54 = vector.shape_cast %reduce_sum3A_53 : vector<2048xf32> to vector<2048x1xf32>
    %add3A_55 = arith.addf %broadcast_in_dim3A_54, %broadcast_in_dim3A_33 : vector<2048x1xf32>
    %convert_element_type3A_56 = arith.fptosi %add3A_55 : vector<2048x1xf32> to vector<2048x1xi32>
    %swap3A = arith.constant 0 : index
    %swap3A_57 = arith.constant 0 : index
    %swap3A_58 = vector.load %arg3[%swap3A, %swap3A_57] : memref<2048x1xi32, #tpu.memory_space<vmem>>, vector<2048x1xi32>
    tpu.vector_store %arg3[%swap3A, %swap3A_57], %convert_element_type3A_56 {strides = array<i32>} : memref<2048x1xi32, #tpu.memory_space<vmem>>, vector<2048x1xi32>,
    %broadcast_in_dim3A_59 = arith.constant 1.000000e+00 : f32
    %broadcast_in_dim3A_60 = vector.broadcast %broadcast_in_dim3A_59 : f32 to vector<1x128xf32>
    %mul3A_61 = vector.broadcast %broadcast_in_dim3A_17 : vector<2048x1xf32> to vector<2048x128xf32>
    %mul3A_62 = vector.broadcast %broadcast_in_dim3A_60 : vector<1x128xf32> to vector<2048x128xf32>
    %mul3A_63 = arith.mulf %mul3A_61, %mul3A_62 : vector<2048x128xf32>
    %swap3A_64 = arith.constant 0 : index
    %swap3A_65 = arith.constant 0 : index
    %swap3A_66 = vector.load %arg4[%swap3A_64, %swap3A_65] : memref<2048x128xf32, #tpu.memory_space<vmem>>, vector<2048x128xf32>
    tpu.vector_store %arg4[%swap3A_64, %swap3A_65], %mul3A_63 {strides = array<i32>} : memref<2048x128xf32, #tpu.memory_space<vmem>>, vector<2048x128xf32>,
    %add3A_67 = arith.addf %dot_general3A_46, %ceil3A : vector<1x64xf32>
    %convert_element_type3A_68 = arith.fptosi %add3A_67 : vector<1x64xf32> to vector<1x64xi32>
    %reduce_sum3A_69 = vector.shape_cast %ceil3A : vector<1x64xf32> to vector<1x1x64xf32>
    %reduce_sum3A_70 = arith.constant dense<0.000000e+00> : vector<1xf32>
    %reduce_sum3A_71 = vector.multi_reduction <add>, %reduce_sum3A_69, %reduce_sum3A_70 [1, 2] : vector<1x1x64xf32> to vector<1xf32>
    %reduce_sum3A_72 = vector.shape_cast %reduce_sum3A_71 : vector<1xf32> to vector<1x1x1xf32>
    %reduce_sum3A_73 = vector.extract %reduce_sum3A_72[0, 0, 0] : f32 from vector<1x1x1xf32>
    %convert_element_type3A_74 = arith.fptosi %reduce_sum3A_73 : f32 to i32
    %iota3A_75 = tpu.iota {dimensions = array<i32: 0>} : vector<128x64xi32>
    %ge3A = vector.broadcast %convert_element_type3A_68 : vector<1x64xi32> to vector<128x64xi32>
    %ge3A_76 = arith.cmpi sge, %iota3A_75, %ge3A : vector<128x64xi32>
    %convert_element_type3A_77 = arith.extui %ge3A_76 : vector<128x64xi1> to vector<128x64xi32>
    %reduce_sum3A_78 = arith.constant dense<0> : vector<128xi32>
    %reduce_sum3A_79 = vector.multi_reduction <add>, %convert_element_type3A_77, %reduce_sum3A_78 [1] : vector<128x64xi32> to vector<128xi32>
    %broadcast_in_dim3A_80 = vector.shape_cast %reduce_sum3A_79 : vector<128xi32> to vector<128x1xi32>
    %iota3A_81 = tpu.iota {dimensions = array<i32: 0>} : vector<128x1xi32>
    %sub3A_82 = arith.constant 1 : i32
    %sub3A_83 = arith.subi %convert_element_type3A_74, %sub3A_82 : i32
    %eq3A_84 = vector.broadcast %sub3A_83 : i32 to vector<128x1xi32>
    %eq3A_85 = arith.cmpi eq, %iota3A_81, %eq3A_84 : vector<128x1xi32>
    %jit3A_86 = arith.constant 0 : i32
    %broadcast_in_dim3A_87 = vector.broadcast %jit3A_86 : i32 to vector<128x1xi32>
    %select_n3A_88 = arith.select %eq3A_85, %broadcast_in_dim3A_80, %broadcast_in_dim3A_87 : vector<128x1xi1>, vector<128x1xi32>
    %reduce_sum3A_89 = arith.constant dense<0> : vector<1xi32>
    %reduce_sum3A_90 = vector.multi_reduction <add>, %select_n3A_88, %reduce_sum3A_89 [0] : vector<128x1xi32> to vector<1xi32>
    %broadcast_in_dim3A_91 = vector.shape_cast %reduce_sum3A_90 : vector<1xi32> to vector<1x1xi32>
    %lt3A_92 = vector.broadcast %convert_element_type3A_74 : i32 to vector<128x1xi32>
    %lt3A_93 = arith.cmpi slt, %iota3A_81, %lt3A_92 : vector<128x1xi32>
    %broadcast_in_dim3A_94 = vector.shape_cast %broadcast_in_dim3A_91 : vector<1x1xi32> to vector<1x1xi32>
    %broadcast_in_dim3A_95 = vector.broadcast %broadcast_in_dim3A_94 : vector<1x1xi32> to vector<128x1xi32>
    %select_n3A_96 = arith.select %lt3A_93, %broadcast_in_dim3A_80, %broadcast_in_dim3A_95 : vector<128x1xi1>, vector<128x1xi32>
    %swap3A_97 = arith.constant 0 : index
    %swap3A_98 = arith.constant 0 : index
    %swap3A_99 = vector.load %arg5[%swap3A_97, %swap3A_98] : memref<128x1xi32, #tpu.memory_space<vmem>>, vector<128x1xi32>
    tpu.vector_store %arg5[%swap3A_97, %swap3A_98], %select_n3A_96 {strides = array<i32>} : memref<128x1xi32, #tpu.memory_space<vmem>>, vector<128x1xi32>,
    %reshape3A = vector.broadcast %convert_element_type3A_74 : i32 to vector<1x1xi32>
    %swap3A_100 = arith.constant 0 : index
    %swap3A_101 = arith.constant 0 : index
    %swap3A_102 = vector.load %arg6[%swap3A_100, %swap3A_101] : memref<1x1xi32, #tpu.memory_space<vmem>>, vector<1x1xi32>
    tpu.vector_store %arg6[%swap3A_100, %swap3A_101], %reshape3A {strides = array<i32>} : memref<1x1xi32, #tpu.memory_space<vmem>>, vector<1x1xi32>,
    return
  }
}

module attributes {stable_mosaic.version = 14 : i64} {
  func.func @_ffn_body(%arg0: i32, %arg1: memref<128xi32, #tpu.memory_space<smem>>, %arg2: memref<1xi32, #tpu.memory_space<smem>>, %arg3: memref<32x768xf32, #tpu.memory_space<vmem>>, %arg4: memref<32x128xf32, #tpu.memory_space<vmem>>, %arg5: memref<1x768x2048xf32, #tpu.memory_space<vmem>>, %arg6: memref<1x1x2048xf32, #tpu.memory_space<vmem>>, %arg7: memref<1x2048x768xf32, #tpu.memory_space<vmem>>, %arg8: memref<1x1x768xf32, #tpu.memory_space<vmem>>, %arg9: memref<32x768xf32, #tpu.memory_space<vmem>>) attributes {dimension_semantics = [#tpu.dimension_semantics<arbitrary>], iteration_bounds = array<i64: 128>, scalar_prefetch = 2 : i64, scratch_operands = 0 : i64, tpu.core_type = #tpu.core_type<tc>, window_params = [{transform_indices = @transform_0, window_bounds = array<i64: 32, 768>}, {transform_indices = @transform_1, window_bounds = array<i64: 32, 128>}, {transform_indices = @transform_2, window_bounds = array<i64: 1, 768, 2048>}, {transform_indices = @transform_3, window_bounds = array<i64: 1, 1, 2048>}, {transform_indices = @transform_4, window_bounds = array<i64: 1, 2048, 768>}, {transform_indices = @transform_5, window_bounds = array<i64: 1, 1, 768>}, {transform_indices = @transform_6, window_bounds = array<i64: 32, 768>}]} {
    %get3A = arith.constant 0 : index
    %get3A_0 = memref.load %arg2[%get3A] : memref<1xi32, #tpu.memory_space<smem>>
    %lt3A = arith.cmpi slt, %arg0, %get3A_0 : i32
    %convert_element_type3A = arith.extui %lt3A : i1 to i32
    %cond3A = arith.constant 0 : i32
    %cond3A_1 = arith.cmpi ne, %convert_element_type3A, %cond3A : i32
    scf.if %cond3A_1 {
      %get3A_2 = arith.constant 0 : index
      %get3A_3 = arith.constant 0 : index
      %get3A_4 = vector.load %arg3[%get3A_2, %get3A_3] : memref<32x768xf32, #tpu.memory_space<vmem>>, vector<32x768xf32>
      %get3A_5 = arith.constant 0 : index
      %get3A_6 = arith.constant 0 : index
      %get3A_7 = arith.constant 0 : index
      %get3A_8 = vector.load %arg5[%get3A_5, %get3A_6, %get3A_7] : memref<1x768x2048xf32, #tpu.memory_space<vmem>>, vector<1x768x2048xf32>
      %get3A_9 = vector.shape_cast %get3A_8 : vector<1x768x2048xf32> to vector<768x2048xf32>
      %dot_general3A = arith.constant dense<0.000000e+00> : vector<32x2048xf32>
      %dot_general3A_10 = tpu.matmul %get3A_4, %get3A_9, %dot_general3A {dimension_numbers = #tpu.dot_dimension_numbers<[1], [0], [0], [1], [0, 0, 1, 1], [], []>, transpose_lhs_hint = false} : vector<32x768xf32>, vector<768x2048xf32>, vector<32x2048xf32> -> vector<32x2048xf32>
      %get3A_11 = arith.constant 0 : index
      %get3A_12 = arith.constant 0 : index
      %get3A_13 = arith.constant 0 : index
      %get3A_14 = vector.load %arg6[%get3A_11, %get3A_12, %get3A_13] : memref<1x1x2048xf32, #tpu.memory_space<vmem>>, vector<1x1x2048xf32>
      %get3A_15 = vector.shape_cast %get3A_14 : vector<1x1x2048xf32> to vector<1x2048xf32>
      %add3A = vector.broadcast %get3A_15 : vector<1x2048xf32> to vector<32x2048xf32>
      %add3A_16 = arith.addf %dot_general3A_10, %add3A : vector<32x2048xf32>
      %mul3A = arith.constant 5.000000e-01 : f32
      %mul3A_17 = vector.broadcast %mul3A : f32 to vector<32x2048xf32>
      %mul3A_18 = arith.mulf %mul3A_17, %add3A_16 : vector<32x2048xf32>
      %mul3A_19 = arith.constant 0.707106769 : f32
      %mul3A_20 = vector.broadcast %mul3A_19 : f32 to vector<32x2048xf32>
      %mul3A_21 = arith.mulf %add3A_16, %mul3A_20 : vector<32x2048xf32>
      %erf3A = math.erf %mul3A_21 : vector<32x2048xf32>
      %add3A_22 = arith.constant 1.000000e+00 : f32
      %add3A_23 = vector.broadcast %add3A_22 : f32 to vector<32x2048xf32>
      %add3A_24 = arith.addf %add3A_23, %erf3A : vector<32x2048xf32>
      %mul3A_25 = arith.mulf %mul3A_18, %add3A_24 : vector<32x2048xf32>
      %get3A_26 = arith.constant 0 : index
      %get3A_27 = arith.constant 0 : index
      %get3A_28 = arith.constant 0 : index
      %get3A_29 = vector.load %arg7[%get3A_26, %get3A_27, %get3A_28] : memref<1x2048x768xf32, #tpu.memory_space<vmem>>, vector<1x2048x768xf32>
      %get3A_30 = vector.shape_cast %get3A_29 : vector<1x2048x768xf32> to vector<2048x768xf32>
      %dot_general3A_31 = arith.constant dense<0.000000e+00> : vector<32x768xf32>
      %dot_general3A_32 = tpu.matmul %mul3A_25, %get3A_30, %dot_general3A_31 {dimension_numbers = #tpu.dot_dimension_numbers<[1], [0], [0], [1], [0, 0, 1, 1], [], []>, transpose_lhs_hint = false} : vector<32x2048xf32>, vector<2048x768xf32>, vector<32x768xf32> -> vector<32x768xf32>
      %get3A_33 = arith.constant 0 : index
      %get3A_34 = arith.constant 0 : index
      %get3A_35 = arith.constant 0 : index
      %get3A_36 = vector.load %arg8[%get3A_33, %get3A_34, %get3A_35] : memref<1x1x768xf32, #tpu.memory_space<vmem>>, vector<1x1x768xf32>
      %get3A_37 = vector.shape_cast %get3A_36 : vector<1x1x768xf32> to vector<1x768xf32>
      %add3A_38 = vector.broadcast %get3A_37 : vector<1x768xf32> to vector<32x768xf32>
      %add3A_39 = arith.addf %dot_general3A_32, %add3A_38 : vector<32x768xf32>
      %get3A_40 = arith.constant 0 : index
      %get3A_41 = arith.constant 0 : index
      %get3A_42 = vector.load %arg4[%get3A_40, %get3A_41] : memref<32x128xf32, #tpu.memory_space<vmem>>, vector<32x1xf32>
      %mul3A_43 = vector.broadcast %get3A_42 : vector<32x1xf32> to vector<32x768xf32>
      %mul3A_44 = arith.mulf %add3A_39, %mul3A_43 : vector<32x768xf32>
      %swap3A = arith.constant 0 : index
      %swap3A_45 = arith.constant 0 : index
      %swap3A_46 = vector.load %arg9[%swap3A, %swap3A_45] : memref<32x768xf32, #tpu.memory_space<vmem>>, vector<32x768xf32>
      tpu.vector_store %arg9[%swap3A, %swap3A_45], %mul3A_44 {strides = array<i32>} : memref<32x768xf32, #tpu.memory_space<vmem>>, vector<32x768xf32>,
    } else {
    }
    return
  }
  func.func @transform_0(%arg0: i32, %arg1: memref<128xi32, #tpu.memory_space<smem>>, %arg2: memref<1xi32, #tpu.memory_space<smem>>) -> (i32, i32) {
    %get3A = arith.constant 0 : index
    %get3A_0 = memref.load %arg2[%get3A] : memref<1xi32, #tpu.memory_space<smem>>
    %sub3A = arith.constant 1 : i32
    %sub3A_1 = arith.subi %get3A_0, %sub3A : i32
    %min3A = arith.minsi %arg0, %sub3A_1 : i32
    %c0_i32 = arith.constant 0 : i32
    %c0_i32_2 = arith.constant 0 : i32
    return %min3A, %c0_i32 : i32, i32
  }
  func.func @transform_1(%arg0: i32, %arg1: memref<128xi32, #tpu.memory_space<smem>>, %arg2: memref<1xi32, #tpu.memory_space<smem>>) -> (i32, i32) {
    %get3A = arith.constant 0 : index
    %get3A_0 = memref.load %arg2[%get3A] : memref<1xi32, #tpu.memory_space<smem>>
    %sub3A = arith.constant 1 : i32
    %sub3A_1 = arith.subi %get3A_0, %sub3A : i32
    %min3A = arith.minsi %arg0, %sub3A_1 : i32
    %c0_i32 = arith.constant 0 : i32
    %c0_i32_2 = arith.constant 0 : i32
    return %min3A, %c0_i32 : i32, i32
  }
  func.func @transform_2(%arg0: i32, %arg1: memref<128xi32, #tpu.memory_space<smem>>, %arg2: memref<1xi32, #tpu.memory_space<smem>>) -> (i32, i32, i32) {
    %get3A = arith.constant 0 : index
    %get3A_0 = memref.load %arg2[%get3A] : memref<1xi32, #tpu.memory_space<smem>>
    %sub3A = arith.constant 1 : i32
    %sub3A_1 = arith.subi %get3A_0, %sub3A : i32
    %min3A = arith.minsi %arg0, %sub3A_1 : i32
    %get3A_2 = arith.index_cast %min3A : i32 to index
    %get3A_3 = memref.load %arg1[%get3A_2] : memref<128xi32, #tpu.memory_space<smem>>
    %c0_i32 = arith.constant 0 : i32
    %c0_i32_4 = arith.constant 0 : i32
    %c0_i32_5 = arith.constant 0 : i32
    return %get3A_3, %c0_i32, %c0_i32_4 : i32, i32, i32
  }
  func.func @transform_3(%arg0: i32, %arg1: memref<128xi32, #tpu.memory_space<smem>>, %arg2: memref<1xi32, #tpu.memory_space<smem>>) -> (i32, i32, i32) {
    %get3A = arith.constant 0 : index
    %get3A_0 = memref.load %arg2[%get3A] : memref<1xi32, #tpu.memory_space<smem>>
    %sub3A = arith.constant 1 : i32
    %sub3A_1 = arith.subi %get3A_0, %sub3A : i32
    %min3A = arith.minsi %arg0, %sub3A_1 : i32
    %get3A_2 = arith.index_cast %min3A : i32 to index
    %get3A_3 = memref.load %arg1[%get3A_2] : memref<128xi32, #tpu.memory_space<smem>>
    %c0_i32 = arith.constant 0 : i32
    %c0_i32_4 = arith.constant 0 : i32
    %c0_i32_5 = arith.constant 0 : i32
    return %get3A_3, %c0_i32, %c0_i32_4 : i32, i32, i32
  }
  func.func @transform_4(%arg0: i32, %arg1: memref<128xi32, #tpu.memory_space<smem>>, %arg2: memref<1xi32, #tpu.memory_space<smem>>) -> (i32, i32, i32) {
    %get3A = arith.constant 0 : index
    %get3A_0 = memref.load %arg2[%get3A] : memref<1xi32, #tpu.memory_space<smem>>
    %sub3A = arith.constant 1 : i32
    %sub3A_1 = arith.subi %get3A_0, %sub3A : i32
    %min3A = arith.minsi %arg0, %sub3A_1 : i32
    %get3A_2 = arith.index_cast %min3A : i32 to index
    %get3A_3 = memref.load %arg1[%get3A_2] : memref<128xi32, #tpu.memory_space<smem>>
    %c0_i32 = arith.constant 0 : i32
    %c0_i32_4 = arith.constant 0 : i32
    %c0_i32_5 = arith.constant 0 : i32
    return %get3A_3, %c0_i32, %c0_i32_4 : i32, i32, i32
  }
  func.func @transform_5(%arg0: i32, %arg1: memref<128xi32, #tpu.memory_space<smem>>, %arg2: memref<1xi32, #tpu.memory_space<smem>>) -> (i32, i32, i32) {
    %get3A = arith.constant 0 : index
    %get3A_0 = memref.load %arg2[%get3A] : memref<1xi32, #tpu.memory_space<smem>>
    %sub3A = arith.constant 1 : i32
    %sub3A_1 = arith.subi %get3A_0, %sub3A : i32
    %min3A = arith.minsi %arg0, %sub3A_1 : i32
    %get3A_2 = arith.index_cast %min3A : i32 to index
    %get3A_3 = memref.load %arg1[%get3A_2] : memref<128xi32, #tpu.memory_space<smem>>
    %c0_i32 = arith.constant 0 : i32
    %c0_i32_4 = arith.constant 0 : i32
    %c0_i32_5 = arith.constant 0 : i32
    return %get3A_3, %c0_i32, %c0_i32_4 : i32, i32, i32
  }
  func.func @transform_6(%arg0: i32, %arg1: memref<128xi32, #tpu.memory_space<smem>>, %arg2: memref<1xi32, #tpu.memory_space<smem>>) -> (i32, i32) {
    %get3A = arith.constant 0 : index
    %get3A_0 = memref.load %arg2[%get3A] : memref<1xi32, #tpu.memory_space<smem>>
    %sub3A = arith.constant 1 : i32
    %sub3A_1 = arith.subi %get3A_0, %sub3A : i32
    %min3A = arith.minsi %arg0, %sub3A_1 : i32
    %c0_i32 = arith.constant 0 : i32
    %c0_i32_2 = arith.constant 0 : i32
    return %min3A, %c0_i32 : i32, i32
  }
}

</mosaic_0001>

<sc_bundles>
// kernel: kernel.6.cloned.1.call-start
scs
__scs_entry_jumppad:
0x0: {  	(pc) =	sbr.rel $0x88, $3  }
0x1: {  	(tag) =	ssettag $0x0;
	lr =	simm.s32 $0x1  }
0x2: {  	[smem:$0x3F9A] =	sst lr;
	_ =	strace $0xD0000000  }
0x3: {  	_ = 	snop  }
0x4: {  	_ = 	snop  }
0x5: {  	_ = 	snop  }
0x6: {  	_ = 	snop  }
0x7: {  	_ = 	snop  }
__scs_overlays_trampoline_lowered:
0x8: {  	[smem:$0x3FA9] =	sst s0  }
0x9: {  	[smem:$0x3FAA] =	sst s1  }
0xa: {  	[smem:$0x3FAB] =	sst s2  }
0xb: {  	[smem:$0x3FAC] =	sst s3  }
0xc: {  	[smem:$0x3FAD] =	sst s4  }
0xd: {  	[smem:$0x3FAE] =	sst s5  }
0xe: {  	[smem:$0x3FAF] =	sst s6  }
0xf: {  	[smem:$0x3FB0] =	sst s7  }
0x10: {  	[smem:$0x3FB1] =	sst s8  }
0x11: {  	[smem:$0x3FB2] =	sst s9;
	s0 =	simm.s32 @!p0 $0x0  }
0x12: {  	s1 =	sld [smem:$0x3F98];
	s0 =	simm.s32 @p0 $0x1  }
0x13: {  	[smem:$0x3FB3] =	sst s0;
	s0 =	simm.s32 @!p1 $0x0  }
0x14: {  	s2 =	sld [smem:$0x3F97];
	s0 =	simm.s32 @p1 $0x1  }
0x15: {  	[smem:$0x3FB4] =	sst s0;
	s0 =	simm.s32 @!p2 $0x0  }
0x16: {  	s3 =	sld [smem:$0x3FDB];
	s0 =	simm.s32 @p2 $0x1  }
0x17: {  	s4 =	simm.s32 $0x1BF5;
	[smem:$0x3FB6] =	sst s0  }
0x18: {  	s0 =	sld [smem:$0x3F99];
	_ =	swait.ge [sflag:s4], $0x0  }
0x19: {  	s7 =	sld [smem:$0x3F9A]  }
0x1a: {  	s8 =	sadd.s32 $0xFFFFE003, lr  }
0x1b: {  	s9 =	sadd.s32 $0xFFFFFEF7, lr;
	s5 =	simm.s32 $0xFFFFFFFF;
	p2 =	slt.u32 s8, $0xFFFFF086  }
0x1c: {  	p1 =	slt.u32 s9, $0xF7A;
	s5 =	simm.s32 @!p2 $0x0  }
0x1d: {  	s5 =	simm.s32 @p1 $0x1;
	p0 =	seq.s32 s7, s2  }
0x1e: {  	s7 =	smul.u32 @!p0 $0xF7A, s2;
	p2 =	seq.s32 @!p0 s5, $0x0  }
0x1f: {  	s9 =	smul.u32 $0xF7A, s1;
	s8 =	simm.s32 @!p0 $0x1BF5;
	p2 =	por !p2, p0  }
0x20: {  	[sflag:s8] =	ssyncset.s32 @!p0 $0xFFFFF086;
	s6 =	sadd.s32 @!p0 s3, s7;
	s7 =	simm.s32 @!p0 $0x108  }
0x21: {  	s3 =	sadd.s32 s3, s9;
	s6 =	sadd.s32 @!p0 $0x88, s6;
	s7 =	simm.s32 @p2 $0x1082  }
0x22: {  	[simem:s7], [sflag:s8] =	dma.local @!p0 [hbm:s6], $0xF7A  }
0x23: {  	s9 =	sor.u32 $0xD0000000, s2;
	s6 =	simm.s32 $0x108;
	_ =	swait.ge @!p0 [sflag:s8], $0x0  }
0x24: {  	s3 =	sadd.s32 $0x88, s3;
	s6 =	simm.s32 @!p1 $0x1082;
	[sflag:s4] =	ssyncset.s32 $0xFFFFF086  }
0x25: {  	[simem:s6], [sflag:s4] =	dma.local [hbm:s3], $0xF7A  }
0x26: {  	[smem:$0x3F9A] =	sst s1;
	(tag) =	ssettag s2;
	_ =	strace s9  }
0x27: {  	s1 =	sld [smem:$0x3FAA]  }
0x28: {  	s2 =	sld [smem:$0x3FAB]  }
0x29: {  	s4 =	sld [smem:$0x3FAD]  }
0x2a: {  	p0 =	seq.s32 s5, $0x0;
	s5 =	sld [smem:$0x3FAE]  }
0x2b: {  	s6 =	sld [smem:$0x3FAF]  }
0x2c: {  	s7 =	sld [smem:$0x3FB0]  }
0x2d: {  	s3 =	simm.s32 $0x108;
	s8 =	sld [smem:$0x3FB1]  }
0x2e: {  	s3 =	simm.s32 @!p0 $0x1082;
	s9 =	sld [smem:$0x3FB2]  }
0x2f: {  	lr =	sadd.s32 s0, s3;
	s0 =	sld [smem:$0x3FA9]  }
0x30: {  	s3 =	sld [smem:$0x3FAC]  }
0x31: {  	[smem:$0x3FB5] =	sst s10  }
0x32: {  	s10 =	sld [smem:$0x3FB3];
	_ =	sdelay $0x3  }
0x33: {  	p0 =	seq.s32 s10, $0x1;
	s10 =	sld [smem:$0x3FB5];
	_ =	sdelay $0x3  }
0x34: {  	[smem:$0x3FB5] =	sst s10  }
0x35: {  	s10 =	sld [smem:$0x3FB4];
	_ =	sdelay $0x3  }
0x36: {  	p1 =	seq.s32 s10, $0x1;
	s10 =	sld [smem:$0x3FB5];
	_ =	sdelay $0x3  }
0x37: {  	[smem:$0x3FB5] =	sst s10  }
0x38: {  	s10 =	sld [smem:$0x3FB6]  }
0x39: {  	_ = 	snop;
	(pc) =	sbr.ind lr, $3  }
0x3a: {  	_ = 	snop  }
0x3b: {  	_ = 	snop  }
0x3c: {  	p2 =	seq.s32 s10, $0x1;
	s10 =	sld [smem:$0x3FB5]  }
0x3d: {  	_ =	shalt  }
0x3e: {  	_ =	shalt  }
0x3f: {  	_ =	shalt  }
0x40: {  	_ =	shalt  }
0x41: {  	_ =	shalt  }
0x42: {  	_ =	shalt  }
0x43: {  	_ =	shalt  }
0x44: {  	_ =	shalt  }
0x45: {  	_ =	shalt  }
0x46: {  	_ =	shalt  }
0x47: {  	_ =	shalt  }
0x48: {  	_ =	shalt  }
0x49: {  	_ =	shalt  }
0x4a: {  	_ =	shalt  }
0x4b: {  	_ =	shalt  }
0x4c: {  	_ =	shalt  }
0x4d: {  	_ =	shalt  }
0x4e: {  	_ =	shalt  }
0x4f: {  	_ =	shalt  }
0x50: {  	_ =	shalt  }
0x51: {  	_ =	shalt  }
0x52: {  	_ =	shalt  }
0x53: {  	_ =	shalt  }
0x54: {  	_ =	shalt  }
0x55: {  	_ =	shalt  }
0x56: {  	_ =	shalt  }
0x57: {  	_ =	shalt  }
0x58: {  	_ =	shalt  }
0x59: {  	_ =	shalt  }
0x5a: {  	_ =	shalt  }
0x5b: {  	_ =	shalt  }
0x5c: {  	_ =	shalt  }
0x5d: {  	_ =	shalt  }
0x5e: {  	_ =	shalt  }
0x5f: {  	_ =	shalt  }
0x60: {  	_ =	shalt  }
0x61: {  	_ =	shalt  }
0x62: {  	_ =	shalt  }
0x63: {  	_ =	shalt  }
0x64: {  	_ =	shalt  }
0x65: {  	_ =	shalt  }
0x66: {  	_ =	shalt  }
0x67: {  	_ =	shalt  }
0x68: {  	_ =	shalt  }
0x69: {  	_ =	shalt  }
0x6a: {  	_ =	shalt  }
0x6b: {  	_ =	shalt  }
0x6c: {  	_ =	shalt  }
0x6d: {  	_ =	shalt  }
0x6e: {  	_ =	shalt  }
0x6f: {  	_ =	shalt  }
0x70: {  	_ =	shalt  }
0x71: {  	_ =	shalt  }
0x72: {  	_ =	shalt  }
0x73: {  	_ =	shalt  }
0x74: {  	_ =	shalt  }
0x75: {  	_ =	shalt  }
0x76: {  	_ =	shalt  }
0x77: {  	_ =	shalt  }
0x78: {  	_ =	shalt  }
0x79: {  	_ =	shalt  }
0x7a: {  	_ =	shalt  }
0x7b: {  	_ =	shalt  }
0x7c: {  	_ =	shalt  }
0x7d: {  	_ =	shalt  }
0x7e: {  	_ =	shalt  }
0x7f: {  	_ =	shalt  }
0x80: {  	_ =	shalt  }
0x81: {  	_ =	shalt  }
0x82: {  	_ =	shalt  }
0x83: {  	_ =	shalt  }
0x84: {  	_ =	shalt  }
0x85: {  	_ =	shalt  }
0x86: {  	_ =	shalt  }
0x87: {  	_ =	shalt  }
.Lfunc_end0:
.L_simem_size_0:
called_computation_lowered:
.L_overlay_start_0:
0x88: {  	s2 =	sld [smem:$0x3FD9]  }
0x89: {  	s3 =	sld [smem:$0x3FFE];
	_ =	sdelay $0x1  }
0x8a: {  	s1 =	srdreg.scid  }
0x8b: {  	s0 =	sand.u32 $0x1, s1  }
0x8c: {  	s17 =	sshll.u32 s0, $0xA;
	s2 =	sadd.s32 s3, s2  }
0x8d: {  	s2 =	sadd.s32 s2, s17  }
0x8e: {  	[smem:$0x3FC1] =	sst s2  }
0x8f: {  	_ = 	snop  }
0x90: {  	s2 =	sld [smem:$0x3FC9]  }
0x91: {  	s18 =	sld [smem:$0x3FD0];
	(tm) =	ssettm $0x1  }
0x92: {  	s4 =	sld [smem:$0x3FFB];
	_ =	sdelay $0x3  }
0x93: {  	_ =	strace s4  }
0x94: {  	s4 =	sld [smem:$0x3FFC];
	_ =	sdelay $0x3  }
0x95: {  	_ =	strace s4  }
0x96: {  	s4 =	sld [smem:$0x3FFD];
	_ =	sdelay $0x3  }
0x97: {  	_ =	strace s4  }
0x98: {  	_ =	strace $0x8FFFFFFF  }
0x99: {  	s19 =	sld [smem:$0x3FDB];
	_ =	sdelay $0x1  }
0x9a: {  	s5 =	simm.s32 $_scs_section_size  }
0x9b: {  	s6 =	simm.s32 $_size__tile_overlayer_lowered;
	s7 =	simm.s32 $_tile_overlayer_lowered  }
0x9c: {  	s22 =	simm.s32 $0x1BFF;
	s21 =	sshll.u32 s7, $0x1;
	s4 =	sadd.s32 s5, s19  }
0x9d: {  	s8 =	simm.s32 $0x0;
	s20 =	sshll.u32 s6, $0x1;
	s6 =	sadd.s32 s21, s4  }
0x9e: {  	[timem:s8], [sflag:s22] =	dma.local [hbm:s6], s20  }
0x9f: {  	_ =	swait.ge [sflag:s22], s20  }
0xa0: {  	s5 =	ssub.s32 $0x0, s20;
	[sflag:s22] =	ssyncset.done $0x0  }
0xa1: {  	[sflag:s22] =	ssyncadd.s32 s5;
	_ =	sdelay $0x1  }
0xa2: {  	s23 =	simm.s32 $0x1B8B  }
0xa3: {  	_ =	swait.ge [sflag:s23], $0x1  }
0xa4: {  	[sflag:s23] =	ssyncset.done $0x0  }
0xa5: {  	s25 =	simm.s32 $0x1B8E;
	s24 =	sld [smem:$0x3FFE];
	[sflag:s23] =	ssyncadd.s32 $0xFFFFFFFF  }
0xa6: {  	s26 =	simm.s32 $execute0_lowered;
	[smem:$0x3FD2] =	sst s25  }
0xa7: {  	s6 =	sshll.u32 s26, $0x1;
	_ =	strace $0x80000046;
	[dreg:$0x1] =	wrdreg $0xFFFFFFFF  }
0xa8: {  	s28 =	simm.s32 $_size_execute0_lowered;
	s4 =	sadd.s32 s4, s6;
	[dreg:$0x0] =	wrdreg $0x0  }
0xa9: {  	s6 =	sshll.u32 s28, $0x1;
	[dreg:$0x2] =	wrdreg s4  }
0xaa: {  	[dreg:$0x3] =	wrdreg s6  }
0xab: {  	[dreg:$0x4] =	wrdreg $0xC0  }
0xac: {  	_ =	task [dreg:s8], $0x5FFFF  }
0xad: {  	[dreg:$0x1] =	wrdreg $0xFFFFFFFF  }
0xae: {  	[dreg:$0x0] =	wrdreg $0x60  }
0xaf: {  	[dreg:$0x2] =	wrdreg s2  }
0xb0: {  	[dreg:$0x3] =	wrdreg s24  }
0xb1: {  	[dreg:$0x4] =	wrdreg s18  }
0xb2: {  	[dreg:$0x5] =	wrdreg $0x9  }
0xb3: {  	_ =	task.clear_ibuf [dreg:s8], $0x6FFFF;
	_ =	strace $0x90000046  }
0xb4: {  	s29 =	simm.s32 $0x9;
	_ =	strace $0x80000048  }
0xb5: {  	_ =	swait.ge [sflag:s29], $0x1  }
0xb6: {  	[sflag:s29] =	ssyncadd.s32 $0xFFFFFFFF  }
0xb7: {  	_ =	strace $0x90000048  }
0xb8: {  	_ =	sfence  }
0xb9: {  	s30 =	sld [smem:$0x0];
	_ =	sdelay $0x2  }
0xba: {  	s31 =	sshll.u32 s1, $0xD;
	s1 =	sshrl.u32 s1, $0x2  }
0xbb: {  	s3 =	sand.u32 $0x4000, s31;
	s1 =	sadd.s32 s1, s30  }
0xbc: {  	s0 =	sor.u32 s3, s0;
	s1 =	sshll.u32 s1, $0x11  }
0xbd: {  	s0 =	sor.u32 s1, s0  }
0xbe: {  	s0 =	sadd.s32 $0x8F2B, s0  }
0xbf: {  	[sflag:s0] =	ssyncadd.remote.s32 $0x1  }
0xc0: {  	_ =	sfence.sel $0xFFFF  }
0xc1: {  	[dreg:$0x0] =	wrdreg $0xFFFFFFFF;
	(pc) =	sbr.abs _section_cstart, $3  }
0xc2: {  	[dreg:$0x1] =	wrdreg $0xFFFFFFFF  }
0xc3: {  	_ =	task.clear_ibuf [dreg:s8], $0x2FFFF;
	_ =	strace $0x9FFFFFFF  }
0xc4: {  	(tm) =	ssettm $0x7FFFFFFF  }
0xc5: {  	_ =	shalt  }
tec
execute0_lowered:
.L_overlay_start_1:
0x0: {  	(tag) =	ssettag $0x1  }
0x1: {  	s1 =	rddreg [dreg:$0x0]  }
0x2: {  	s5 =	rddreg [dreg:$0x1];
	s2 =	srdreg.scid  }
0x3: {  	s3 =	rddreg [dreg:$0x2];
	s0 =	stileid.u32;
	s23 =	simm.s32 $0x880  }
0x4: {  	s24 =	simm.s32 $0x1080;
	s25 =	simm.s32 $0x1880;
	s8 =	simm.s32 $0x80  }
0x5: {  	s26 =	simm.s32 $0x2080;
	s9 =	simm.s32 $0xC080;
	s11 =	simm.s32 $0x3080  }
0x6: {  	s12 =	simm.s32 $0x3880;
	s13 =	simm.s32 $0x4080;
	s14 =	simm.s32 $0x4880  }
0x7: {  	s15 =	simm.s32 $0x5080;
	s16 =	simm.s32 $0x5880;
	s17 =	simm.s32 $0x6080  }
0x8: {  	s18 =	simm.s32 $0x6880;
	s19 =	simm.s32 $0x7080;
	s28 =	simm.s32 $0xB080  }
0x9: {  	s4 =	sand.u32 $0x1, s2;
	[dreg:$0x4] =	wrdreg s3;
	s2 =	simm.s32 $0x0  }
0xa: {  	s29 =	simm.s32 $0xB880;
	s30 =	simm.s32 $0x40;
	[smem:$0x7FF] =	sst s2  }
0xb: {  	s31 =	simm.s32 $0x1;
	_ =	strace $0x80000047;
	[dreg:$0x8] =	wrdreg s23  }
0xc: {  	s20 =	sshll.u32 s0, $0x7;
	s6 =	sshll.u32 s4, $0x6;
	[dreg:$0x9] =	wrdreg s24  }
0xd: {  	s4 =	ssub.s32 $0x2, s4;
	s3 =	sor.u32 s6, s20;
	[dreg:$0xa] =	wrdreg s25  }
0xe: {  	s21 =	sshrl.u32 s4, $0x1;
	[dreg:$0xb] =	wrdreg s26;
	s20 =	simm.s32 $0x7880  }
0xf: {  	s23 =	simm.s32 $0x9080;
	s24 =	simm.s32 $0x9880;
	s25 =	simm.s32 $0xA080  }
0x10: {  	s26 =	simm.s32 $0xA880;
	s6 =	sshrl.u32 s3, $0x3;
	s3 =	sshll.u32 s3, $0x4  }
0x11: {  	s7 =	sadd.s32 s6, s5;
	s6 =	smul.u32 $0x300, s6;
	s3 =	sadd.s32 s3, s5  }
0x12: {  	s7 =	sadd.s32 $0x9400, s7;
	s22 =	sadd.s32 $0x1400, s3;
	s3 =	sadd.s32 $0x9600, s5  }
0x13: {  	[dreg:$0x5] =	wrdreg s7;
	s1 =	sadd.s32 s1, s6;
	s6 =	ssub.s32 s4, s21  }
0x14: {  	v2 =	vlaneseq.u32;
	[dreg:$0x7] =	wrdreg s22;
	s4 =	sadd.s32 $0x9700, s5;
	s5 =	sadd.s32 $0x9800, s5  }
0x15: {  	vm0 =	vmmov $0xffff;
	v1 =	vshrl.u32 v2, $0x3;
	s7 =	simm.s32 $0x3;
	s21 =	simm.s32 $0x8080;
	s22 =	simm.s32 $0x8880  }
0x16: {  	v0 =	vand.u32 $0x7, v2;
	v2 =	vor.u32 $0x8, v2;
	v1 =	vmul.u32 $0x8, v1;
	[dreg:$0x6] =	wrdreg s1;
	s6 =	smax.u32 s6, $0x1;
	s1 =	simm.s32 $0x2  }
.LBB2_1:
0x17: {  	s0 =	rddreg [dreg:$0x5]  }
0x18: {  	[tilespmem:s2], [sflag:$0x3] =	stream.linear.gather [hbm4b:s0+s2], $0x40, $0x38;
	[tilespmem:$0xE080] =	vst v63  }
0x19: {  	_ =	swait.ge [sflag:s7], $0x40  }
0x1a: {  	[sflag:s7] =	ssyncset.done $0x0  }
0x1b: {  	s10 =	rddreg [dreg:$0x6];
	[sflag:s7] =	ssyncadd.s32 $0xFFFFFFC0  }
0x1c: {  	[tilespmem:s8], [sflag:$0x3] =	stream.linear.gather [hbm4b:s10+s2], $0xC000, $0x38;
	[tilespmem:$0xE080] =	vst v63  }
0x1d: {  	_ =	swait.ge [sflag:s7], $0xC000  }
0x1e: {  	[sflag:s7] =	ssyncset.done $0x0  }
0x1f: {  	s10 =	rddreg [dreg:$0x7];
	[sflag:s7] =	ssyncadd.s32 $0xFFFF4000  }
0x20: {  	[tilespmem:s9], [sflag:$0x3] =	stream.linear.gather [hbm4b:s10+s2], $0x2000, $0x38;
	[tilespmem:$0xE080] =	vst v63  }
0x21: {  	_ =	swait.ge [sflag:s7], $0x2000  }
0x22: {  	[sflag:s7] =	ssyncset.done $0x0  }
0x23: {  	[sflag:s7] =	ssyncadd.s32 $0xFFFFE000  }
0x24: {  	v3 =	vld [tilespmem:$0x0];
	_ =	sdelay $0x4  }
0x25: {  	v4 =	vshrl.u32 v3, $0x3  }
0x26: {  	v4 =	vmul.u32 $0x30, v4  }
0x27: {  	v3 =	vand.u32 $0x7, v3  }
0x28: {  	v3 =	vor.u32 v3, v4  }
0x29: {  	v4 =	vperm.xlane v3, v0;
	_ =	sdelay $0x1  }
0x2a: {  	v4 =	vadd.s32 v1, v4;
	_ =	sdelay $0x3  }
0x2b: {  	v3 =	vperm.xlane v3, v2  }
0x2c: {  	[hbm4b:s3+s2] =	stream.indirect_vreg.scatter [tilespmem:s8], [sflag:$0x1], $0x80, v4, vm0, $0xb8;
	[tilespmem:$0xE080] =	vst v63  }
0x2d: {  	s0 =	rddreg [dreg:$0x8];
	v3 =	vadd.s32 v1, v3  }
0x2e: {  	[hbm4b:s4+s2] =	stream.indirect_vreg.scatter [tilespmem:s0], [sflag:$0x1], $0x80, v4, vm0, $0xb8;
	[tilespmem:$0xE080] =	vst v63  }
0x2f: {  	s10 =	rddreg [dreg:$0x9]  }
0x30: {  	[hbm4b:s5+s2] =	stream.indirect_vreg.scatter [tilespmem:s10], [sflag:$0x1], $0x80, v4, vm0, $0xb8;
	[tilespmem:$0xE080] =	vst v63  }
0x31: {  	s0 =	rddreg [dreg:$0xa]  }
0x32: {  	[hbm4b:s3+s2] =	stream.indirect_vreg.scatter [tilespmem:s0], [sflag:$0x1], $0x80, v3, vm0, $0xb8;
	[tilespmem:$0xE080] =	vst v63  }
0x33: {  	s10 =	rddreg [dreg:$0xb]  }
0x34: {  	[hbm4b:s4+s2] =	stream.indirect_vreg.scatter [tilespmem:s10], [sflag:$0x1], $0x80, v3, vm0, $0xb8;
	[tilespmem:$0xE080] =	vst v63  }
0x35: {  	s10 =	simm.s32 $0x2880  }
0x36: {  	[hbm4b:s5+s2] =	stream.indirect_vreg.scatter [tilespmem:s10], [sflag:$0x1], $0x80, v3, vm0, $0xb8;
	[tilespmem:$0xE080] =	vst v63  }
0x37: {  	v3 =	vld [tilespmem:$0x10];
	_ =	sdelay $0x4  }
0x38: {  	v61 =	vshrl.u32 v3, $0x3  }
0x39: {  	v4 =	vmul.u32 $0x30, v61  }
0x3a: {  	v3 =	vand.u32 $0x7, v3  }
0x3b: {  	v3 =	vor.u32 v3, v4  }
0x3c: {  	v4 =	vperm.xlane v3, v0;
	_ =	sdelay $0x1  }
0x3d: {  	v4 =	vadd.s32 v1, v4;
	_ =	sdelay $0x3  }
0x3e: {  	v3 =	vperm.xlane v3, v2  }
0x3f: {  	[hbm4b:s3+s2] =	stream.indirect_vreg.scatter [tilespmem:s11], [sflag:$0x1], $0x80, v4, vm0, $0xb8;
	[tilespmem:$0xE080] =	vst v63  }
0x40: {  	v3 =	vadd.s32 v1, v3  }
0x41: {  	[hbm4b:s4+s2] =	stream.indirect_vreg.scatter [tilespmem:s12], [sflag:$0x1], $0x80, v4, vm0, $0xb8;
	[tilespmem:$0xE080] =	vst v63  }
0x42: {  	_ = 	snop  }
0x43: {  	[hbm4b:s5+s2] =	stream.indirect_vreg.scatter [tilespmem:s13], [sflag:$0x1], $0x80, v4, vm0, $0xb8;
	[tilespmem:$0xE080] =	vst v63  }
0x44: {  	_ = 	snop  }
0x45: {  	[hbm4b:s3+s2] =	stream.indirect_vreg.scatter [tilespmem:s14], [sflag:$0x1], $0x80, v3, vm0, $0xb8;
	[tilespmem:$0xE080] =	vst v63  }
0x46: {  	_ = 	snop  }
0x47: {  	[hbm4b:s4+s2] =	stream.indirect_vreg.scatter [tilespmem:s15], [sflag:$0x1], $0x80, v3, vm0, $0xb8;
	[tilespmem:$0xE080] =	vst v63  }
0x48: {  	_ = 	snop  }
0x49: {  	[hbm4b:s5+s2] =	stream.indirect_vreg.scatter [tilespmem:s16], [sflag:$0x1], $0x80, v3, vm0, $0xb8;
	[tilespmem:$0xE080] =	vst v63  }
0x4a: {  	v3 =	vld [tilespmem:$0x20];
	_ =	sdelay $0x4  }
0x4b: {  	v62 =	vshrl.u32 v3, $0x3  }
0x4c: {  	v4 =	vmul.u32 $0x30, v62  }
0x4d: {  	v3 =	vand.u32 $0x7, v3  }
0x4e: {  	v3 =	vor.u32 v3, v4  }
0x4f: {  	v4 =	vperm.xlane v3, v0;
	_ =	sdelay $0x1  }
0x50: {  	v4 =	vadd.s32 v1, v4;
	_ =	sdelay $0x3  }
0x51: {  	v3 =	vperm.xlane v3, v2  }
0x52: {  	[hbm4b:s3+s2] =	stream.indirect_vreg.scatter [tilespmem:s17], [sflag:$0x1], $0x80, v4, vm0, $0xb8;
	[tilespmem:$0xE080] =	vst v63  }
0x53: {  	v3 =	vadd.s32 v1, v3  }
0x54: {  	[hbm4b:s4+s2] =	stream.indirect_vreg.scatter [tilespmem:s18], [sflag:$0x1], $0x80, v4, vm0, $0xb8;
	[tilespmem:$0xE080] =	vst v63  }
0x55: {  	_ = 	snop  }
0x56: {  	[hbm4b:s5+s2] =	stream.indirect_vreg.scatter [tilespmem:s19], [sflag:$0x1], $0x80, v4, vm0, $0xb8;
	[tilespmem:$0xE080] =	vst v63  }
0x57: {  	_ = 	snop  }
0x58: {  	[hbm4b:s3+s2] =	stream.indirect_vreg.scatter [tilespmem:s20], [sflag:$0x1], $0x80, v3, vm0, $0xb8;
	[tilespmem:$0xE080] =	vst v63  }
0x59: {  	_ = 	snop  }
0x5a: {  	[hbm4b:s4+s2] =	stream.indirect_vreg.scatter [tilespmem:s21], [sflag:$0x1], $0x80, v3, vm0, $0xb8;
	[tilespmem:$0xE080] =	vst v63  }
0x5b: {  	_ = 	snop  }
0x5c: {  	[hbm4b:s5+s2] =	stream.indirect_vreg.scatter [tilespmem:s22], [sflag:$0x1], $0x80, v3, vm0, $0xb8;
	[tilespmem:$0xE080] =	vst v63  }
0x5d: {  	v3 =	vld [tilespmem:$0x30];
	_ =	sdelay $0x4  }
0x5e: {  	v63 =	vshrl.u32 v3, $0x3  }
0x5f: {  	v4 =	vmul.u32 $0x30, v63  }
0x60: {  	v3 =	vand.u32 $0x7, v3  }
0x61: {  	v3 =	vor.u32 v3, v4  }
0x62: {  	v4 =	vperm.xlane v3, v0;
	_ =	sdelay $0x1  }
0x63: {  	v4 =	vadd.s32 v1, v4;
	_ =	sdelay $0x3  }
0x64: {  	v3 =	vperm.xlane v3, v2  }
0x65: {  	[hbm4b:s3+s2] =	stream.indirect_vreg.scatter [tilespmem:s23], [sflag:$0x1], $0x80, v4, vm0, $0xb8;
	[tilespmem:$0xE080] =	vst v63  }
0x66: {  	v3 =	vadd.s32 v1, v3  }
0x67: {  	[hbm4b:s4+s2] =	stream.indirect_vreg.scatter [tilespmem:s24], [sflag:$0x1], $0x80, v4, vm0, $0xb8;
	[tilespmem:$0xE080] =	vst v63  }
0x68: {  	_ = 	snop  }
0x69: {  	[hbm4b:s5+s2] =	stream.indirect_vreg.scatter [tilespmem:s25], [sflag:$0x1], $0x80, v4, vm0, $0xb8;
	[tilespmem:$0xE080] =	vst v63  }
0x6a: {  	_ = 	snop  }
0x6b: {  	[hbm4b:s3+s2] =	stream.indirect_vreg.scatter [tilespmem:s26], [sflag:$0x1], $0x80, v3, vm0, $0xb8;
	[tilespmem:$0xE080] =	vst v63  }
0x6c: {  	_ = 	snop  }
0x6d: {  	[hbm4b:s4+s2] =	stream.indirect_vreg.scatter [tilespmem:s28], [sflag:$0x1], $0x80, v3, vm0, $0xb8;
	[tilespmem:$0xE080] =	vst v63  }
0x6e: {  	_ = 	snop  }
0x6f: {  	[hbm4b:s5+s2] =	stream.indirect_vreg.scatter [tilespmem:s29], [sflag:$0x1], $0x80, v3, vm0, $0xb8;
	[tilespmem:$0xE080] =	vst v63  }
0x70: {  	s10 =	rddreg [dreg:$0x4]  }
0x71: {  	[hbm4b:s10+s30] =	stream.indirect.scatter [tilespmem:s9], [sflag:$0x2], $0x80, s2, s30, $0xb8;
	[tilespmem:$0xE080] =	vst v63  }
0x72: {  	p0 =	sne.s32 s6, $0x1;
	_ =	swait.ge [sflag:s31], $0xC000  }
.Ltmp0:
0x73: {  	[sflag:s31] =	ssyncset.done $0x0;
	(pc) =	sbr.rel @p0 .LBB2_1-.Ltmp0, $4  }
0x74: {  	[sflag:s31] =	ssyncadd.s32 $0xFFFF4000  }
0x75: {  	_ =	swait.ge [sflag:s1], $0x2000  }
0x76: {  	[sflag:s1] =	ssyncset.done $0x0  }
0x77: {  	s6 =	sadd.s32 $0xFFFFFFFF, s6;
	[sflag:s1] =	ssyncadd.s32 $0xFFFFE000  }
0x78: {  	_ =	sfence.sel $0x180000  }
0x79: {  	[bflag:$0x0] =	sbarrier.arrive $0xFFFF  }
0x7a: {  	_ =	strace $0x90000047  }
0x7b: {  	s0 =	stileid.u32;
	[bflag:$0x2] =	sbarrier.arrive $0xFFFF  }
0x7c: {  	p0 =	sne.s32 s0, $0x0;
	s0 =	rddreg [dreg:$0x3]  }
0x7d: {  	s0 =	sadd.s32 @!p0 $0x100000, s0  }
0x7e: {  	[sflag:s0] =	ssyncadd.tile.s32 @!p0 $0x1;
	_ =	shalt  }
.Lfunc_end2:
_tile_overlayer_lowered:
.L_overlay_start_2:
0x7f: {  	(tag) =	ssettag $0x2  }
0x80: {  	s0 =	rddreg [dreg:$0x0];
	s2 =	stileid.u32  }
0x81: {  	s1 =	rddreg [dreg:$0x1];
	p0 =	sne.s32 s2, $0x0  }
0x82: {  	s3 =	rddreg [dreg:$0x2];
	[bflag:$0x3] =	sbarrier.arrive $0xFFFF;
	s2 =	simm.s32 @!p0 $0x1C03  }
0x83: {  	[timem:s3], [sflag:s2] =	dma.local @!p0 [hbm:s0], s1  }
0x84: {  	s0 =	simm.s32 @!p0 $0x3  }
0x85: {  	_ =	swait.ge @!p0 [sflag:s0], s1  }
0x86: {  	s1 =	ssub.s32 @!p0 $0x0, s1;
	[sflag:s0] =	ssyncset.done @!p0 $0x0  }
0x87: {  	[sflag:s0] =	ssyncadd.s32 @!p0 s1  }
0x88: {  	[bflag:$0x3] =	sbarrier.arrive $0xFFFF  }
0x89: {  	_ =	shalt  }

// kernel: kernel.9.cloned.1.call-start
scs
__scs_entry_jumppad:
0x0: {  	(pc) =	sbr.rel $0x88, $3  }
0x1: {  	(tag) =	ssettag $0x0;
	lr =	simm.s32 $0x1  }
0x2: {  	[smem:$0x3F9A] =	sst lr;
	_ =	strace $0xD0000000  }
0x3: {  	_ = 	snop  }
0x4: {  	_ = 	snop  }
0x5: {  	_ = 	snop  }
0x6: {  	_ = 	snop  }
0x7: {  	_ = 	snop  }
__scs_overlays_trampoline_lowered:
0x8: {  	[smem:$0x3FA9] =	sst s0  }
0x9: {  	[smem:$0x3FAA] =	sst s1  }
0xa: {  	[smem:$0x3FAB] =	sst s2  }
0xb: {  	[smem:$0x3FAC] =	sst s3  }
0xc: {  	[smem:$0x3FAD] =	sst s4  }
0xd: {  	[smem:$0x3FAE] =	sst s5  }
0xe: {  	[smem:$0x3FAF] =	sst s6  }
0xf: {  	[smem:$0x3FB0] =	sst s7  }
0x10: {  	[smem:$0x3FB1] =	sst s8  }
0x11: {  	[smem:$0x3FB2] =	sst s9;
	s0 =	simm.s32 @!p0 $0x0  }
0x12: {  	s1 =	sld [smem:$0x3F98];
	s0 =	simm.s32 @p0 $0x1  }
0x13: {  	[smem:$0x3FB3] =	sst s0;
	s0 =	simm.s32 @!p1 $0x0  }
0x14: {  	s2 =	sld [smem:$0x3F97];
	s0 =	simm.s32 @p1 $0x1  }
0x15: {  	[smem:$0x3FB4] =	sst s0;
	s0 =	simm.s32 @!p2 $0x0  }
0x16: {  	s3 =	sld [smem:$0x3FDB];
	s0 =	simm.s32 @p2 $0x1  }
0x17: {  	s4 =	simm.s32 $0x1BF5;
	[smem:$0x3FB6] =	sst s0  }
0x18: {  	s0 =	sld [smem:$0x3F99];
	_ =	swait.ge [sflag:s4], $0x0  }
0x19: {  	s7 =	sld [smem:$0x3F9A]  }
0x1a: {  	s8 =	sadd.s32 $0xFFFFE003, lr  }
0x1b: {  	s9 =	sadd.s32 $0xFFFFFEF7, lr;
	s5 =	simm.s32 $0xFFFFFFFF;
	p2 =	slt.u32 s8, $0xFFFFF086  }
0x1c: {  	p1 =	slt.u32 s9, $0xF7A;
	s5 =	simm.s32 @!p2 $0x0  }
0x1d: {  	s5 =	simm.s32 @p1 $0x1;
	p0 =	seq.s32 s7, s2  }
0x1e: {  	s7 =	smul.u32 @!p0 $0xF7A, s2;
	p2 =	seq.s32 @!p0 s5, $0x0  }
0x1f: {  	s9 =	smul.u32 $0xF7A, s1;
	s8 =	simm.s32 @!p0 $0x1BF5;
	p2 =	por !p2, p0  }
0x20: {  	[sflag:s8] =	ssyncset.s32 @!p0 $0xFFFFF086;
	s6 =	sadd.s32 @!p0 s3, s7;
	s7 =	simm.s32 @!p0 $0x108  }
0x21: {  	s3 =	sadd.s32 s3, s9;
	s6 =	sadd.s32 @!p0 $0x88, s6;
	s7 =	simm.s32 @p2 $0x1082  }
0x22: {  	[simem:s7], [sflag:s8] =	dma.local @!p0 [hbm:s6], $0xF7A  }
0x23: {  	s9 =	sor.u32 $0xD0000000, s2;
	s6 =	simm.s32 $0x108;
	_ =	swait.ge @!p0 [sflag:s8], $0x0  }
0x24: {  	s3 =	sadd.s32 $0x88, s3;
	s6 =	simm.s32 @!p1 $0x1082;
	[sflag:s4] =	ssyncset.s32 $0xFFFFF086  }
0x25: {  	[simem:s6], [sflag:s4] =	dma.local [hbm:s3], $0xF7A  }
0x26: {  	[smem:$0x3F9A] =	sst s1;
	(tag) =	ssettag s2;
	_ =	strace s9  }
0x27: {  	s1 =	sld [smem:$0x3FAA]  }
0x28: {  	s2 =	sld [smem:$0x3FAB]  }
0x29: {  	s4 =	sld [smem:$0x3FAD]  }
0x2a: {  	p0 =	seq.s32 s5, $0x0;
	s5 =	sld [smem:$0x3FAE]  }
0x2b: {  	s6 =	sld [smem:$0x3FAF]  }
0x2c: {  	s7 =	sld [smem:$0x3FB0]  }
0x2d: {  	s3 =	simm.s32 $0x108;
	s8 =	sld [smem:$0x3FB1]  }
0x2e: {  	s3 =	simm.s32 @!p0 $0x1082;
	s9 =	sld [smem:$0x3FB2]  }
0x2f: {  	lr =	sadd.s32 s0, s3;
	s0 =	sld [smem:$0x3FA9]  }
0x30: {  	s3 =	sld [smem:$0x3FAC]  }
0x31: {  	[smem:$0x3FB5] =	sst s10  }
0x32: {  	s10 =	sld [smem:$0x3FB3];
	_ =	sdelay $0x3  }
0x33: {  	p0 =	seq.s32 s10, $0x1;
	s10 =	sld [smem:$0x3FB5];
	_ =	sdelay $0x3  }
0x34: {  	[smem:$0x3FB5] =	sst s10  }
0x35: {  	s10 =	sld [smem:$0x3FB4];
	_ =	sdelay $0x3  }
0x36: {  	p1 =	seq.s32 s10, $0x1;
	s10 =	sld [smem:$0x3FB5];
	_ =	sdelay $0x3  }
0x37: {  	[smem:$0x3FB5] =	sst s10  }
0x38: {  	s10 =	sld [smem:$0x3FB6]  }
0x39: {  	_ = 	snop;
	(pc) =	sbr.ind lr, $3  }
0x3a: {  	_ = 	snop  }
0x3b: {  	_ = 	snop  }
0x3c: {  	p2 =	seq.s32 s10, $0x1;
	s10 =	sld [smem:$0x3FB5]  }
0x3d: {  	_ =	shalt  }
0x3e: {  	_ =	shalt  }
0x3f: {  	_ =	shalt  }
0x40: {  	_ =	shalt  }
0x41: {  	_ =	shalt  }
0x42: {  	_ =	shalt  }
0x43: {  	_ =	shalt  }
0x44: {  	_ =	shalt  }
0x45: {  	_ =	shalt  }
0x46: {  	_ =	shalt  }
0x47: {  	_ =	shalt  }
0x48: {  	_ =	shalt  }
0x49: {  	_ =	shalt  }
0x4a: {  	_ =	shalt  }
0x4b: {  	_ =	shalt  }
0x4c: {  	_ =	shalt  }
0x4d: {  	_ =	shalt  }
0x4e: {  	_ =	shalt  }
0x4f: {  	_ =	shalt  }
0x50: {  	_ =	shalt  }
0x51: {  	_ =	shalt  }
0x52: {  	_ =	shalt  }
0x53: {  	_ =	shalt  }
0x54: {  	_ =	shalt  }
0x55: {  	_ =	shalt  }
0x56: {  	_ =	shalt  }
0x57: {  	_ =	shalt  }
0x58: {  	_ =	shalt  }
0x59: {  	_ =	shalt  }
0x5a: {  	_ =	shalt  }
0x5b: {  	_ =	shalt  }
0x5c: {  	_ =	shalt  }
0x5d: {  	_ =	shalt  }
0x5e: {  	_ =	shalt  }
0x5f: {  	_ =	shalt  }
0x60: {  	_ =	shalt  }
0x61: {  	_ =	shalt  }
0x62: {  	_ =	shalt  }
0x63: {  	_ =	shalt  }
0x64: {  	_ =	shalt  }
0x65: {  	_ =	shalt  }
0x66: {  	_ =	shalt  }
0x67: {  	_ =	shalt  }
0x68: {  	_ =	shalt  }
0x69: {  	_ =	shalt  }
0x6a: {  	_ =	shalt  }
0x6b: {  	_ =	shalt  }
0x6c: {  	_ =	shalt  }
0x6d: {  	_ =	shalt  }
0x6e: {  	_ =	shalt  }
0x6f: {  	_ =	shalt  }
0x70: {  	_ =	shalt  }
0x71: {  	_ =	shalt  }
0x72: {  	_ =	shalt  }
0x73: {  	_ =	shalt  }
0x74: {  	_ =	shalt  }
0x75: {  	_ =	shalt  }
0x76: {  	_ =	shalt  }
0x77: {  	_ =	shalt  }
0x78: {  	_ =	shalt  }
0x79: {  	_ =	shalt  }
0x7a: {  	_ =	shalt  }
0x7b: {  	_ =	shalt  }
0x7c: {  	_ =	shalt  }
0x7d: {  	_ =	shalt  }
0x7e: {  	_ =	shalt  }
0x7f: {  	_ =	shalt  }
0x80: {  	_ =	shalt  }
0x81: {  	_ =	shalt  }
0x82: {  	_ =	shalt  }
0x83: {  	_ =	shalt  }
0x84: {  	_ =	shalt  }
0x85: {  	_ =	shalt  }
0x86: {  	_ =	shalt  }
0x87: {  	_ =	shalt  }
.Lfunc_end0:
.L_simem_size_0:
called_computation.1_lowered:
.L_overlay_start_0:
0x88: {  	s2 =	sld [smem:$0x3FD9]  }
0x89: {  	s3 =	sld [smem:$0x3FFE];
	_ =	sdelay $0x1  }
0x8a: {  	s1 =	srdreg.scid  }
0x8b: {  	s0 =	sand.u32 $0x1, s1  }
0x8c: {  	s17 =	sshll.u32 s0, $0xA;
	s2 =	sadd.s32 s3, s2  }
0x8d: {  	s2 =	sadd.s32 s2, s17  }
0x8e: {  	[smem:$0x3FC1] =	sst s2  }
0x8f: {  	_ = 	snop  }
0x90: {  	s2 =	sld [smem:$0x3FD0];
	(tm) =	ssettm $0x1  }
0x91: {  	s18 =	sld [smem:$0x3FFB];
	_ =	sdelay $0x3  }
0x92: {  	_ =	strace s18  }
0x93: {  	s3 =	sld [smem:$0x3FFC];
	_ =	sdelay $0x3  }
0x94: {  	_ =	strace s3  }
0x95: {  	s3 =	sld [smem:$0x3FFD];
	_ =	sdelay $0x3  }
0x96: {  	_ =	strace s3  }
0x97: {  	_ =	strace $0x8FFFFFFF  }
0x98: {  	s19 =	sld [smem:$0x3FDB];
	_ =	sdelay $0x1  }
0x99: {  	s4 =	simm.s32 $_scs_section_size  }
0x9a: {  	s5 =	simm.s32 $_size__tile_overlayer_lowered;
	s6 =	simm.s32 $_tile_overlayer_lowered  }
0x9b: {  	s22 =	simm.s32 $0x1BFF;
	s21 =	sshll.u32 s6, $0x1;
	s3 =	sadd.s32 s4, s19  }
0x9c: {  	s7 =	simm.s32 $0x0;
	s20 =	sshll.u32 s5, $0x1;
	s5 =	sadd.s32 s21, s3  }
0x9d: {  	[timem:s7], [sflag:s22] =	dma.local [hbm:s5], s20  }
0x9e: {  	_ =	swait.ge [sflag:s22], s20  }
0x9f: {  	s4 =	ssub.s32 $0x0, s20;
	[sflag:s22] =	ssyncset.done $0x0  }
0xa0: {  	[sflag:s22] =	ssyncadd.s32 s4;
	_ =	sdelay $0x1  }
0xa1: {  	s23 =	simm.s32 $0x1B8B  }
0xa2: {  	_ =	swait.ge [sflag:s23], $0x1  }
0xa3: {  	[sflag:s23] =	ssyncset.done $0x0  }
0xa4: {  	s25 =	simm.s32 $0x1B8E;
	s24 =	sld [smem:$0x3FFE];
	[sflag:s23] =	ssyncadd.s32 $0xFFFFFFFF  }
0xa5: {  	s26 =	simm.s32 $execute0_lowered;
	[smem:$0x3FD2] =	sst s25  }
0xa6: {  	s5 =	sshll.u32 s26, $0x1;
	_ =	strace $0x80000049;
	[dreg:$0x1] =	wrdreg $0xFFFFFFFF  }
0xa7: {  	s28 =	simm.s32 $_size_execute0_lowered;
	s3 =	sadd.s32 s3, s5;
	[dreg:$0x0] =	wrdreg $0x0  }
0xa8: {  	s5 =	sshll.u32 s28, $0x1;
	[dreg:$0x2] =	wrdreg s3  }
0xa9: {  	[dreg:$0x3] =	wrdreg s5  }
0xaa: {  	[dreg:$0x4] =	wrdreg $0xC0  }
0xab: {  	_ =	task [dreg:s7], $0x5FFFF  }
0xac: {  	[dreg:$0x1] =	wrdreg $0xFFFFFFFF  }
0xad: {  	[dreg:$0x0] =	wrdreg $0x60  }
0xae: {  	[dreg:$0x2] =	wrdreg s24  }
0xaf: {  	[dreg:$0x3] =	wrdreg s2  }
0xb0: {  	[dreg:$0x4] =	wrdreg $0x9  }
0xb1: {  	_ =	task.clear_ibuf [dreg:s7], $0x5FFFF;
	_ =	strace $0x90000049  }
0xb2: {  	s29 =	simm.s32 $0x9;
	_ =	strace $0x8000004B  }
0xb3: {  	_ =	swait.ge [sflag:s29], $0x1  }
0xb4: {  	[sflag:s29] =	ssyncadd.s32 $0xFFFFFFFF  }
0xb5: {  	_ =	strace $0x9000004B  }
0xb6: {  	_ =	sfence  }
0xb7: {  	s30 =	sld [smem:$0x0];
	_ =	sdelay $0x2  }
0xb8: {  	s31 =	sshll.u32 s1, $0xD;
	s1 =	sshrl.u32 s1, $0x2  }
0xb9: {  	s3 =	sand.u32 $0x4000, s31;
	s1 =	sadd.s32 s1, s30  }
0xba: {  	s0 =	sor.u32 s3, s0;
	s1 =	sshll.u32 s1, $0x11  }
0xbb: {  	s0 =	sor.u32 s1, s0  }
0xbc: {  	s0 =	sadd.s32 $0x8F2B, s0  }
0xbd: {  	[sflag:s0] =	ssyncadd.remote.s32 $0x1  }
0xbe: {  	_ =	sfence.sel $0xFFFF  }
0xbf: {  	[dreg:$0x0] =	wrdreg $0xFFFFFFFF;
	(pc) =	sbr.abs _section_cstart, $3  }
0xc0: {  	[dreg:$0x1] =	wrdreg $0xFFFFFFFF  }
0xc1: {  	_ =	task.clear_ibuf [dreg:s7], $0x2FFFF;
	_ =	strace $0x9FFFFFFF  }
0xc2: {  	(tm) =	ssettm $0x7FFFFFFF  }
0xc3: {  	_ =	shalt  }
tec
execute0_lowered:
.L_overlay_start_1:
0x0: {  	(tag) =	ssettag $0x1  }
0x1: {  	s0 =	rddreg [dreg:$0x0]  }
0x2: {  	s5 =	rddreg [dreg:$0x1];
	s3 =	srdreg.scid  }
0x3: {  	s2 =	simm.s32 $0x0;
	s1 =	stileid.u32;
	s26 =	simm.s32 $0x880  }
0x4: {  	s10 =	simm.s32 $0x1880;
	s11 =	simm.s32 $0x2080;
	s12 =	simm.s32 $0x2880  }
0x5: {  	s13 =	simm.s32 $0x3080;
	s14 =	simm.s32 $0x3880;
	s15 =	simm.s32 $0x4080  }
0x6: {  	s16 =	simm.s32 $0x4880;
	s17 =	simm.s32 $0x5080;
	s18 =	simm.s32 $0x5880  }
0x7: {  	s19 =	simm.s32 $0x6080;
	s20 =	simm.s32 $0x6880;
	s21 =	simm.s32 $0x7080  }
0x8: {  	s22 =	simm.s32 $0x7880;
	s28 =	simm.s32 $0xA080;
	s29 =	simm.s32 $0xA880  }
0x9: {  	s30 =	simm.s32 $0xB080;
	s31 =	simm.s32 $0xB880;
	s3 =	sand.u32 $0x1, s3  }
0xa: {  	[smem:$0x7FF] =	sst s2;
	s4 =	sshll.u32 s1, $0x4;
	s6 =	sshll.u32 s3, $0x3  }
0xb: {  	_ =	strace $0x8000004A;
	s23 =	ssub.s32 $0x2, s3;
	s3 =	sadd.s32 $0x9600, s0  }
0xc: {  	[dreg:$0x5] =	wrdreg s26;
	s26 =	simm.s32 $0x9880;
	s4 =	sor.u32 s6, s4  }
0xd: {  	s8 =	sshrl.u32 s23, $0x1;
	s7 =	sadd.s32 s4, s0;
	s9 =	smul.u32 $0x300, s4  }
0xe: {  	s6 =	ssub.s32 s23, s8;
	s4 =	sadd.s32 $0x9700, s0;
	s8 =	simm.s32 $0x80  }
0xf: {  	s23 =	simm.s32 $0x8080;
	s24 =	sadd.s32 $0x9400, s7;
	s6 =	smax.u32 s6, $0x1  }
0x10: {  	v2 =	vlaneseq.u32;
	s7 =	simm.s32 $0x2;
	[dreg:$0x3] =	wrdreg s24;
	s25 =	sadd.s32 s5, s9  }
0x11: {  	vm0 =	vmmov $0xffff;
	v1 =	vshrl.u32 v2, $0x3;
	s5 =	sadd.s32 $0x9800, s0;
	s9 =	simm.s32 $0x1080;
	s24 =	simm.s32 $0x8880  }
0x12: {  	v0 =	vand.u32 $0x7, v2;
	v2 =	vor.u32 $0x8, v2;
	v1 =	vmul.u32 $0x8, v1;
	s0 =	simm.s32 $0x1;
	[dreg:$0x4] =	wrdreg s25;
	s25 =	simm.s32 $0x9080  }
.LBB2_1:
0x13: {  	s1 =	rddreg [dreg:$0x3]  }
0x14: {  	[tilespmem:s2], [sflag:$0x2] =	stream.linear.gather [hbm4b:s1+s2], $0x40, $0x38;
	[tilespmem:$0xC080] =	vst v63  }
0x15: {  	_ =	swait.ge [sflag:s7], $0x40  }
0x16: {  	[sflag:s7] =	ssyncset.done $0x0  }
0x17: {  	[sflag:s7] =	ssyncadd.s32 $0xFFFFFFC0  }
0x18: {  	v3 =	vld [tilespmem:$0x0];
	_ =	sdelay $0x4  }
0x19: {  	v4 =	vshrl.u32 v3, $0x3  }
0x1a: {  	v4 =	vmul.u32 $0x30, v4  }
0x1b: {  	v3 =	vand.u32 $0x7, v3  }
0x1c: {  	v3 =	vor.u32 v3, v4  }
0x1d: {  	v4 =	vperm.xlane v3, v0;
	_ =	sdelay $0x1  }
0x1e: {  	v4 =	vadd.s32 v1, v4;
	_ =	sdelay $0x3  }
0x1f: {  	v3 =	vperm.xlane v3, v2  }
0x20: {  	[tilespmem:s8], [sflag:$0x1] =	stream.indirect_vreg.gather [hbm4b:s3+s2], $0x80, v4, vm0, $0xb8;
	[tilespmem:$0xC080] =	vst v63  }
0x21: {  	s1 =	rddreg [dreg:$0x5];
	v3 =	vadd.s32 v1, v3  }
0x22: {  	[tilespmem:s1], [sflag:$0x1] =	stream.indirect_vreg.gather [hbm4b:s4+s2], $0x80, v4, vm0, $0xb8;
	[tilespmem:$0xC080] =	vst v63  }
0x23: {  	_ = 	snop  }
0x24: {  	[tilespmem:s9], [sflag:$0x1] =	stream.indirect_vreg.gather [hbm4b:s5+s2], $0x80, v4, vm0, $0xb8;
	[tilespmem:$0xC080] =	vst v63  }
0x25: {  	_ = 	snop  }
0x26: {  	[tilespmem:s10], [sflag:$0x1] =	stream.indirect_vreg.gather [hbm4b:s3+s2], $0x80, v3, vm0, $0xb8;
	[tilespmem:$0xC080] =	vst v63  }
0x27: {  	_ = 	snop  }
0x28: {  	[tilespmem:s11], [sflag:$0x1] =	stream.indirect_vreg.gather [hbm4b:s4+s2], $0x80, v3, vm0, $0xb8;
	[tilespmem:$0xC080] =	vst v63  }
0x29: {  	_ = 	snop  }
0x2a: {  	[tilespmem:s12], [sflag:$0x1] =	stream.indirect_vreg.gather [hbm4b:s5+s2], $0x80, v3, vm0, $0xb8;
	[tilespmem:$0xC080] =	vst v63  }
0x2b: {  	v3 =	vld [tilespmem:$0x10];
	_ =	sdelay $0x4  }
0x2c: {  	v61 =	vshrl.u32 v3, $0x3  }
0x2d: {  	v4 =	vmul.u32 $0x30, v61  }
0x2e: {  	v3 =	vand.u32 $0x7, v3  }
0x2f: {  	v3 =	vor.u32 v3, v4  }
0x30: {  	v4 =	vperm.xlane v3, v0;
	_ =	sdelay $0x1  }
0x31: {  	v4 =	vadd.s32 v1, v4;
	_ =	sdelay $0x3  }
0x32: {  	v3 =	vperm.xlane v3, v2  }
0x33: {  	[tilespmem:s13], [sflag:$0x1] =	stream.indirect_vreg.gather [hbm4b:s3+s2], $0x80, v4, vm0, $0xb8;
	[tilespmem:$0xC080] =	vst v63  }
0x34: {  	v3 =	vadd.s32 v1, v3  }
0x35: {  	[tilespmem:s14], [sflag:$0x1] =	stream.indirect_vreg.gather [hbm4b:s4+s2], $0x80, v4, vm0, $0xb8;
	[tilespmem:$0xC080] =	vst v63  }
0x36: {  	_ = 	snop  }
0x37: {  	[tilespmem:s15], [sflag:$0x1] =	stream.indirect_vreg.gather [hbm4b:s5+s2], $0x80, v4, vm0, $0xb8;
	[tilespmem:$0xC080] =	vst v63  }
0x38: {  	_ = 	snop  }
0x39: {  	[tilespmem:s16], [sflag:$0x1] =	stream.indirect_vreg.gather [hbm4b:s3+s2], $0x80, v3, vm0, $0xb8;
	[tilespmem:$0xC080] =	vst v63  }
0x3a: {  	_ = 	snop  }
0x3b: {  	[tilespmem:s17], [sflag:$0x1] =	stream.indirect_vreg.gather [hbm4b:s4+s2], $0x80, v3, vm0, $0xb8;
	[tilespmem:$0xC080] =	vst v63  }
0x3c: {  	_ = 	snop  }
0x3d: {  	[tilespmem:s18], [sflag:$0x1] =	stream.indirect_vreg.gather [hbm4b:s5+s2], $0x80, v3, vm0, $0xb8;
	[tilespmem:$0xC080] =	vst v63  }
0x3e: {  	v3 =	vld [tilespmem:$0x20];
	_ =	sdelay $0x4  }
0x3f: {  	v62 =	vshrl.u32 v3, $0x3  }
0x40: {  	v4 =	vmul.u32 $0x30, v62  }
0x41: {  	v3 =	vand.u32 $0x7, v3  }
0x42: {  	v3 =	vor.u32 v3, v4  }
0x43: {  	v4 =	vperm.xlane v3, v0;
	_ =	sdelay $0x1  }
0x44: {  	v4 =	vadd.s32 v1, v4;
	_ =	sdelay $0x3  }
0x45: {  	v3 =	vperm.xlane v3, v2  }
0x46: {  	[tilespmem:s19], [sflag:$0x1] =	stream.indirect_vreg.gather [hbm4b:s3+s2], $0x80, v4, vm0, $0xb8;
	[tilespmem:$0xC080] =	vst v63  }
0x47: {  	v3 =	vadd.s32 v1, v3  }
0x48: {  	[tilespmem:s20], [sflag:$0x1] =	stream.indirect_vreg.gather [hbm4b:s4+s2], $0x80, v4, vm0, $0xb8;
	[tilespmem:$0xC080] =	vst v63  }
0x49: {  	_ = 	snop  }
0x4a: {  	[tilespmem:s21], [sflag:$0x1] =	stream.indirect_vreg.gather [hbm4b:s5+s2], $0x80, v4, vm0, $0xb8;
	[tilespmem:$0xC080] =	vst v63  }
0x4b: {  	_ = 	snop  }
0x4c: {  	[tilespmem:s22], [sflag:$0x1] =	stream.indirect_vreg.gather [hbm4b:s3+s2], $0x80, v3, vm0, $0xb8;
	[tilespmem:$0xC080] =	vst v63  }
0x4d: {  	_ = 	snop  }
0x4e: {  	[tilespmem:s23], [sflag:$0x1] =	stream.indirect_vreg.gather [hbm4b:s4+s2], $0x80, v3, vm0, $0xb8;
	[tilespmem:$0xC080] =	vst v63  }
0x4f: {  	_ = 	snop  }
0x50: {  	[tilespmem:s24], [sflag:$0x1] =	stream.indirect_vreg.gather [hbm4b:s5+s2], $0x80, v3, vm0, $0xb8;
	[tilespmem:$0xC080] =	vst v63  }
0x51: {  	v3 =	vld [tilespmem:$0x30];
	_ =	sdelay $0x4  }
0x52: {  	v63 =	vshrl.u32 v3, $0x3  }
0x53: {  	v4 =	vmul.u32 $0x30, v63  }
0x54: {  	v3 =	vand.u32 $0x7, v3  }
0x55: {  	v3 =	vor.u32 v3, v4  }
0x56: {  	v4 =	vperm.xlane v3, v0;
	_ =	sdelay $0x1  }
0x57: {  	v4 =	vadd.s32 v1, v4;
	_ =	sdelay $0x3  }
0x58: {  	v3 =	vperm.xlane v3, v2  }
0x59: {  	[tilespmem:s25], [sflag:$0x1] =	stream.indirect_vreg.gather [hbm4b:s3+s2], $0x80, v4, vm0, $0xb8;
	[tilespmem:$0xC080] =	vst v63  }
0x5a: {  	v3 =	vadd.s32 v1, v3  }
0x5b: {  	[tilespmem:s26], [sflag:$0x1] =	stream.indirect_vreg.gather [hbm4b:s4+s2], $0x80, v4, vm0, $0xb8;
	[tilespmem:$0xC080] =	vst v63  }
0x5c: {  	_ = 	snop  }
0x5d: {  	[tilespmem:s28], [sflag:$0x1] =	stream.indirect_vreg.gather [hbm4b:s5+s2], $0x80, v4, vm0, $0xb8;
	[tilespmem:$0xC080] =	vst v63  }
0x5e: {  	_ = 	snop  }
0x5f: {  	[tilespmem:s29], [sflag:$0x1] =	stream.indirect_vreg.gather [hbm4b:s3+s2], $0x80, v3, vm0, $0xb8;
	[tilespmem:$0xC080] =	vst v63  }
0x60: {  	_ = 	snop  }
0x61: {  	[tilespmem:s30], [sflag:$0x1] =	stream.indirect_vreg.gather [hbm4b:s4+s2], $0x80, v3, vm0, $0xb8;
	[tilespmem:$0xC080] =	vst v63  }
0x62: {  	_ = 	snop  }
0x63: {  	[tilespmem:s31], [sflag:$0x1] =	stream.indirect_vreg.gather [hbm4b:s5+s2], $0x80, v3, vm0, $0xb8;
	[tilespmem:$0xC080] =	vst v63  }
0x64: {  	_ =	swait.ge [sflag:s0], $0xC000  }
0x65: {  	p0 =	sne.s32 s6, $0x1;
	[sflag:s0] =	ssyncset.done $0x0  }
.Ltmp0:
0x66: {  	s1 =	rddreg [dreg:$0x4];
	[sflag:s0] =	ssyncadd.s32 $0xFFFF4000;
	(pc) =	sbr.rel @p0 .LBB2_1-.Ltmp0, $4  }
0x67: {  	[hbm4b:s1+s2] =	stream.linear.scatter [tilespmem:s8], [sflag:$0x2], $0xC000, $0x38;
	[tilespmem:$0xC080] =	vst v63  }
0x68: {  	_ =	swait.ge [sflag:s7], $0xC000  }
0x69: {  	[sflag:s7] =	ssyncset.done $0x0  }
0x6a: {  	s6 =	sadd.s32 $0xFFFFFFFF, s6;
	[sflag:s7] =	ssyncadd.s32 $0xFFFF4000  }
0x6b: {  	_ =	sfence.sel $0x180000  }
0x6c: {  	[bflag:$0x0] =	sbarrier.arrive $0xFFFF  }
0x6d: {  	_ =	strace $0x9000004A  }
0x6e: {  	s0 =	stileid.u32;
	[bflag:$0x2] =	sbarrier.arrive $0xFFFF  }
0x6f: {  	p0 =	sne.s32 s0, $0x0;
	s0 =	rddreg [dreg:$0x2]  }
0x70: {  	s0 =	sadd.s32 @!p0 $0x100000, s0  }
0x71: {  	[sflag:s0] =	ssyncadd.tile.s32 @!p0 $0x1;
	_ =	shalt  }
.Lfunc_end2:
_tile_overlayer_lowered:
.L_overlay_start_2:
0x72: {  	(tag) =	ssettag $0x2  }
0x73: {  	s0 =	rddreg [dreg:$0x0];
	s2 =	stileid.u32  }
0x74: {  	s1 =	rddreg [dreg:$0x1];
	p0 =	sne.s32 s2, $0x0  }
0x75: {  	s3 =	rddreg [dreg:$0x2];
	[bflag:$0x3] =	sbarrier.arrive $0xFFFF;
	s2 =	simm.s32 @!p0 $0x1C02  }
0x76: {  	[timem:s3], [sflag:s2] =	dma.local @!p0 [hbm:s0], s1  }
0x77: {  	s0 =	simm.s32 @!p0 $0x2  }
0x78: {  	_ =	swait.ge @!p0 [sflag:s0], s1  }
0x79: {  	s1 =	ssub.s32 @!p0 $0x0, s1;
	[sflag:s0] =	ssyncset.done @!p0 $0x0  }
0x7a: {  	[sflag:s0] =	ssyncadd.s32 @!p0 s1  }
0x7b: {  	[bflag:$0x3] =	sbarrier.arrive $0xFFFF  }
0x7c: {  	_ =	shalt  }

</sc_bundles>
